<compile_context>
chip_gen: v7x
topology: tpu7x:2x2x1
jax: 0.10.2.dev20260603
libtpu: 0.0.44.dev20260713+nightly
codegen_flags: <defaults>
</compile_context>

<pallas_src>
import functools
import math

import jax
import jax.numpy as jnp
from jax import lax
from jax.experimental import pallas as pl
from jax.experimental.pallas import tpu as pltpu
from jax.experimental.pallas import tpu_sc as plsc

_L = 16


def _sc_body(nimg, h, w, xh, zh, ph, xb0, xb1, zb0, zb1,
             s_in0, s_in1, s_out0, s_out1, accv):
    h2, w2 = h // 2, w // 2
    hh = h // 2
    hh2 = hh // 2
    wid = lax.axis_index("s") * 2 + lax.axis_index("c")
    base = wid * nimg
    lane = lax.iota(jnp.int32, _L)
    evens = [lane * 2 + j * (2 * _L) for j in range(w2 // _L)]

    def compute(xb, zb, accs):
        @plsc.parallel_loop(0, hh2, 1, unroll=1, carry=accs)
        def rp_body(rp, accs):
            aa, ab = accs
            r0 = jnp.full((_L,), 2 * rp, jnp.int32)
            r1 = r0 + 1
            for j in range(w2 // _L):
                odd = evens[j] + 1
                e0 = plsc.load_gather(xb, [r0, evens[j]])
                o0 = plsc.load_gather(xb, [r0, odd])
                e1 = plsc.load_gather(xb, [r1, evens[j]])
                o1 = plsc.load_gather(xb, [r1, odd])
                z = jnp.maximum(jnp.maximum(e0, o0), jnp.maximum(e1, o1))
                zb[rp, pl.ds(j * _L, _L)] = z
                d0 = z - e0
                d1 = z - o0
                d2 = z - e1
                d3 = z - o1
                aa = aa + (d0 * d0 + d1 * d1)
                ab = ab + (d2 * d2 + d3 * d3)
            return (aa, ab)
        return rp_body

    pltpu.make_async_copy(xh.at[base, pl.ds(0, hh)], xb0, s_in0).start()

    def step(g, acc):
        img = base + g
        pltpu.make_async_copy(xh.at[img, pl.ds(hh, hh)], xb1, s_in1).start()
        pltpu.make_async_copy(xh.at[img, pl.ds(0, hh)], xb0, s_in0).wait()

        @pl.when(g > 0)
        def _():
            pltpu.make_async_copy(zb0, zh.at[img - 1, pl.ds(0, hh2)], s_out0).wait()

        acc = compute(xb0, zb0, acc)
        pltpu.make_async_copy(zb0, zh.at[img, pl.ds(0, hh2)], s_out0).start()

        @pl.when(g + 1 < nimg)
        def _():
            pltpu.make_async_copy(xh.at[img + 1, pl.ds(0, hh)], xb0, s_in0).start()

        pltpu.make_async_copy(xh.at[img, pl.ds(hh, hh)], xb1, s_in1).wait()

        @pl.when(g > 0)
        def _():
            pltpu.make_async_copy(zb1, zh.at[img - 1, pl.ds(hh2, hh2)], s_out1).wait()

        acc = compute(xb1, zb1, acc)
        pltpu.make_async_copy(zb1, zh.at[img, pl.ds(hh2, hh2)], s_out1).start()
        return acc

    zero = jnp.zeros((_L,), jnp.float32)
    accs = lax.fori_loop(0, nimg, step, (zero, zero))
    acc = accs[0] + accs[1]

    pltpu.make_async_copy(zb0, zh.at[base + nimg - 1, pl.ds(0, hh2)], s_out0).wait()
    pltpu.make_async_copy(zb1, zh.at[base + nimg - 1, pl.ds(hh2, hh2)], s_out1).wait()
    accv[...] = acc
    pltpu.sync_copy(accv, ph.at[wid])


@functools.partial(jax.jit, static_argnums=(1, 2))
def _pool_sc(xf, h, w):
    nimgs = xf.shape[0]
    h2, w2 = h // 2, w // 2
    nworkers = 32
    nimg = nimgs // nworkers
    mesh = plsc.VectorSubcoreMesh(core_axis_name="c", subcore_axis_name="s")
    body = functools.partial(_sc_body, nimg, h, w)
    return pl.kernel(
        body,
        out_type=(
            jax.ShapeDtypeStruct((nimgs, h2, w2), jnp.float32),
            jax.ShapeDtypeStruct((nworkers, _L), jnp.float32),
        ),
        mesh=mesh,
        compiler_params=pltpu.CompilerParams(
            needs_layout_passes=False, use_tc_tiling_on_sc=True),
        scratch_types=(
            pltpu.VMEM((h // 2, w), jnp.float32),
            pltpu.VMEM((h // 2, w), jnp.float32),
            pltpu.VMEM((h // 4, w2), jnp.float32),
            pltpu.VMEM((h // 4, w2), jnp.float32),
            pltpu.SemaphoreType.DMA,
            pltpu.SemaphoreType.DMA,
            pltpu.SemaphoreType.DMA,
            pltpu.SemaphoreType.DMA,
            pltpu.VMEM((_L,), jnp.float32),
        ),
    )(xf)


def kernel(x):
    b, c, h, w = x.shape
    xf = x.reshape(b * c, h, w)
    zf, partials = _pool_sc(xf, h, w)
    z = zf.reshape(b, c, h // 2, w // 2)
    n = c * (h // 2) * (w // 2)
    const = -0.5 * math.log(2.0 * math.pi) * (3 * n) - math.log(4.0) * n
    ldj = -0.5 * partials.reshape(b, -1).sum(-1) + const
    return (z, ldj)

# --- scband reference (transcript-rebuilt; emitter-appended) ---
"""Pipeline reference for scband-simple-max-pool-surjection2d-52982716563985 (READ-ONLY COPY).

The authoritative reference and input builder live on the scoring server;
editing this copy changes nothing except your own understanding.
"""

import jax, jax.numpy as jnp
import numpy as np
import math

def setup_inputs(seed: int = 0) -> dict:
    key = jax.random.key(seed)
    x = jax.random.normal(key, (8, 96, 224, 224), dtype=jnp.float32)
    return {"x": x}

def _standard_normal_log_prob(xd):
    # decoder.log_prob: standard Normal, summed over all non-batch dims -> [B]
    lp = -0.5 * (xd ** 2) - 0.5 * math.log(2.0 * math.pi)
    return lp.reshape(xd.shape[0], -1).sum(-1)

def reference(x):
    b, c, h, w = x.shape
    # _squeeze: gather each 2x2 spatial block into last dim of size 4
    t = x.reshape(b, c, h // 2, 2, w // 2, 2)
    xs = jnp.transpose(t, (0, 1, 2, 4, 3, 5)).reshape(b, c, h // 2, w // 2, 4)
    # max over block + argmax index k (the top-1 masking)
    z = xs.max(-1)
    k = jnp.argmax(xs, axis=-1)
    # indices of the 3 non-max elements, in ascending original order
    # (equivalent to xs[~mask].view(k.shape + (3,)) in the torch code)
    j = jnp.arange(3)
    kept = j + (j >= k[..., None]).astype(k.dtype)
    xr = jnp.take_along_axis(xs, kept, axis=-1)
    xds = z[..., None] - xr  # [b, c, h//2, w//2, 3]
    xd = jnp.transpose(xds, (0, 1, 4, 2, 3)).reshape(b, 3 * c, h // 2, w // 2)
    ldj_k = -math.log(4.0) * float(c * (h // 2) * (w // 2))
    ldj = _standard_normal_log_prob(xd) + ldj_k
    return (z, ldj)

if __name__ == "__main__":
    import jax
    _d = setup_inputs()
    print(jax.jit(kernel)(*tuple(_d.values())))

</pallas_src>

<mosaic_0001>
#map = affine_map<(d0, d1) -> (0, 0, 0)>
#map1 = affine_map<(d0, d1) -> (0, 0)>
module attributes {stable_mosaic.version = 14 : i64} {
  func.func @_sc_body(%arg0: i32, %arg1: i32, %arg2: memref<768x224x224xf32, #tpu.memory_space<hbm>>, %arg3: memref<768x112x112xf32, #tpu.memory_space<hbm>>, %arg4: memref<32x16xf32, #tpu.memory_space<hbm>>, %arg5: memref<112x224xf32, #tpu.memory_space<vmem>>, %arg6: memref<112x224xf32, #tpu.memory_space<vmem>>, %arg7: memref<56x112xf32, #tpu.memory_space<vmem>>, %arg8: memref<56x112xf32, #tpu.memory_space<vmem>>, %arg9: memref<!tpu.dma_semaphore, #tpu.memory_space<semaphore_mem>>, %arg10: memref<!tpu.dma_semaphore, #tpu.memory_space<semaphore_mem>>, %arg11: memref<!tpu.dma_semaphore, #tpu.memory_space<semaphore_mem>>, %arg12: memref<!tpu.dma_semaphore, #tpu.memory_space<semaphore_mem>>, %arg13: memref<16xf32, #tpu.memory_space<vmem>>) attributes {dimension_semantics = [#tpu.dimension_semantics<core_parallel>, #tpu.dimension_semantics<subcore_parallel>], iteration_bounds = array<i64: 2, 16>, scalar_prefetch = 0 : i64, scratch_operands = 9 : i64, tpu.core_type = #tpu.core_type<sc_vector_subcore>, window_params = [{transform_indices = #map}, {transform_indices = #map}, {transform_indices = #map1}]} {
    %mul3A = arith.constant 2 : i32
    %mul3A_0 = arith.muli %arg1, %mul3A : i32
    %add3A = arith.addi %mul3A_0, %arg0 : i32
    %mul3A_1 = arith.constant 24 : i32
    %mul3A_2 = arith.muli %add3A, %mul3A_1 : i32
    %iota3A = tpu.iota {dimensions = array<i32: 0>} : vector<16xi32>
    %mul3A_3 = arith.constant 2 : i32
    %mul3A_4 = vector.broadcast %mul3A_3 : i32 to vector<16xi32>
    %mul3A_5 = arith.muli %iota3A, %mul3A_4 : vector<16xi32>
    %add3A_6 = arith.constant 0 : i32
    %add3A_7 = vector.broadcast %add3A_6 : i32 to vector<16xi32>
    %add3A_8 = arith.addi %mul3A_5, %add3A_7 : vector<16xi32>
    %mul3A_9 = arith.constant 2 : i32
    %mul3A_10 = vector.broadcast %mul3A_9 : i32 to vector<16xi32>
    %mul3A_11 = arith.muli %iota3A, %mul3A_10 : vector<16xi32>
    %add3A_12 = arith.constant 32 : i32
    %add3A_13 = vector.broadcast %add3A_12 : i32 to vector<16xi32>
    %add3A_14 = arith.addi %mul3A_11, %add3A_13 : vector<16xi32>
    %mul3A_15 = arith.constant 2 : i32
    %mul3A_16 = vector.broadcast %mul3A_15 : i32 to vector<16xi32>
    %mul3A_17 = arith.muli %iota3A, %mul3A_16 : vector<16xi32>
    %add3A_18 = arith.constant 64 : i32
    %add3A_19 = vector.broadcast %add3A_18 : i32 to vector<16xi32>
    %add3A_20 = arith.addi %mul3A_17, %add3A_19 : vector<16xi32>
    %mul3A_21 = arith.constant 2 : i32
    %mul3A_22 = vector.broadcast %mul3A_21 : i32 to vector<16xi32>
    %mul3A_23 = arith.muli %iota3A, %mul3A_22 : vector<16xi32>
    %add3A_24 = arith.constant 96 : i32
    %add3A_25 = vector.broadcast %add3A_24 : i32 to vector<16xi32>
    %add3A_26 = arith.addi %mul3A_23, %add3A_25 : vector<16xi32>
    %mul3A_27 = arith.constant 2 : i32
    %mul3A_28 = vector.broadcast %mul3A_27 : i32 to vector<16xi32>
    %mul3A_29 = arith.muli %iota3A, %mul3A_28 : vector<16xi32>
    %add3A_30 = arith.constant 128 : i32
    %add3A_31 = vector.broadcast %add3A_30 : i32 to vector<16xi32>
    %add3A_32 = arith.addi %mul3A_29, %add3A_31 : vector<16xi32>
    %mul3A_33 = arith.constant 2 : i32
    %mul3A_34 = vector.broadcast %mul3A_33 : i32 to vector<16xi32>
    %mul3A_35 = arith.muli %iota3A, %mul3A_34 : vector<16xi32>
    %add3A_36 = arith.constant 160 : i32
    %add3A_37 = vector.broadcast %add3A_36 : i32 to vector<16xi32>
    %add3A_38 = arith.addi %mul3A_35, %add3A_37 : vector<16xi32>
    %mul3A_39 = arith.constant 2 : i32
    %mul3A_40 = vector.broadcast %mul3A_39 : i32 to vector<16xi32>
    %mul3A_41 = arith.muli %iota3A, %mul3A_40 : vector<16xi32>
    %add3A_42 = arith.constant 192 : i32
    %add3A_43 = vector.broadcast %add3A_42 : i32 to vector<16xi32>
    %add3A_44 = arith.addi %mul3A_41, %add3A_43 : vector<16xi32>
    %dma_start3A = arith.constant 0 : i32
    %dma_start3A_45 = arith.constant 0 : i32
    %dma_start3A_46 = tpu.memref_slice %arg2[%mul3A_2, %dma_start3A, %dma_start3A_45] : memref<768x224x224xf32, #tpu.memory_space<hbm>> -> memref<1x112x224xf32, #tpu.memory_space<hbm>>
    %dma_start3A_47 = tpu.memref_squeeze %dma_start3A_46 : memref<1x112x224xf32, #tpu.memory_space<hbm>> -> memref<112x224xf32, #tpu.memory_space<hbm>>
    %dma_start3A_48 = arith.constant 0 : i32
    %dma_start3A_49 = arith.constant 0 : i32
    %dma_start3A_50 = tpu.memref_slice %arg2[%mul3A_2, %dma_start3A_48, %dma_start3A_49] : memref<768x224x224xf32, #tpu.memory_space<hbm>> -> memref<1x112x224xf32, #tpu.memory_space<hbm>>
    %dma_start3A_51 = tpu.memref_squeeze %dma_start3A_50 : memref<1x112x224xf32, #tpu.memory_space<hbm>> -> memref<112x224xf32, #tpu.memory_space<hbm>>
    tpu.enqueue_dma source(%dma_start3A_51 : memref<112x224xf32, #tpu.memory_space<hbm>>) target(%arg5 : memref<112x224xf32, #tpu.memory_space<vmem>>) target_semaphore(%arg9 : memref<!tpu.dma_semaphore, #tpu.memory_space<semaphore_mem>>)
    %broadcast_in_dim3A = arith.constant 0.000000e+00 : f32
    %broadcast_in_dim3A_52 = vector.broadcast %broadcast_in_dim3A : f32 to vector<16xf32>
    %scan3A = arith.constant 0 : i32
    %scan3A_53 = arith.constant 24 : i32
    %scan3A_54 = arith.addi %scan3A, %scan3A_53 : i32
    %scan3A_55 = arith.constant 1 : i32
    %scan3A_56:2 = scf.for %scan3A_82 = %scan3A to %scan3A_54 step %scan3A_55 iter_args(%scan3A_83 = %broadcast_in_dim3A_52, %scan3A_84 = %broadcast_in_dim3A_52) -> (vector<16xf32>, vector<16xf32>)  : i32 {
      %add3A_85 = arith.addi %mul3A_2, %scan3A_82 : i32
      %dma_start3A_86 = arith.constant 112 : i32
      %dma_start3A_87 = arith.constant 0 : i32
      %dma_start3A_88 = tpu.memref_slice %arg2[%add3A_85, %dma_start3A_86, %dma_start3A_87] : memref<768x224x224xf32, #tpu.memory_space<hbm>> -> memref<1x112x224xf32, #tpu.memory_space<hbm>>
      %dma_start3A_89 = tpu.memref_squeeze %dma_start3A_88 : memref<1x112x224xf32, #tpu.memory_space<hbm>> -> memref<112x224xf32, #tpu.memory_space<hbm>>
      %dma_start3A_90 = arith.constant 112 : i32
      %dma_start3A_91 = arith.constant 0 : i32
      %dma_start3A_92 = tpu.memref_slice %arg2[%add3A_85, %dma_start3A_90, %dma_start3A_91] : memref<768x224x224xf32, #tpu.memory_space<hbm>> -> memref<1x112x224xf32, #tpu.memory_space<hbm>>
      %dma_start3A_93 = tpu.memref_squeeze %dma_start3A_92 : memref<1x112x224xf32, #tpu.memory_space<hbm>> -> memref<112x224xf32, #tpu.memory_space<hbm>>
      tpu.enqueue_dma source(%dma_start3A_93 : memref<112x224xf32, #tpu.memory_space<hbm>>) target(%arg6 : memref<112x224xf32, #tpu.memory_space<vmem>>) target_semaphore(%arg10 : memref<!tpu.dma_semaphore, #tpu.memory_space<semaphore_mem>>)
      %dma_wait3A_94 = arith.constant 0 : i32
      %dma_wait3A_95 = arith.constant 0 : i32
      %dma_wait3A_96 = tpu.memref_slice %arg2[%add3A_85, %dma_wait3A_94, %dma_wait3A_95] : memref<768x224x224xf32, #tpu.memory_space<hbm>> -> memref<1x112x224xf32, #tpu.memory_space<hbm>>
      %dma_wait3A_97 = tpu.memref_squeeze %dma_wait3A_96 : memref<1x112x224xf32, #tpu.memory_space<hbm>> -> memref<112x224xf32, #tpu.memory_space<hbm>>
      %dma_wait3A_98 = arith.constant 0 : i32
      %dma_wait3A_99 = arith.constant 0 : i32
      %dma_wait3A_100 = tpu.memref_slice %arg2[%add3A_85, %dma_wait3A_98, %dma_wait3A_99] : memref<768x224x224xf32, #tpu.memory_space<hbm>> -> memref<1x112x224xf32, #tpu.memory_space<hbm>>
      %dma_wait3A_101 = tpu.memref_squeeze %dma_wait3A_100 : memref<1x112x224xf32, #tpu.memory_space<hbm>> -> memref<112x224xf32, #tpu.memory_space<hbm>>
      tpu.wait_dma2 semaphore(%arg9 : memref<!tpu.dma_semaphore, #tpu.memory_space<semaphore_mem>>) src(%dma_wait3A_101 : memref<112x224xf32, #tpu.memory_space<hbm>>) dst(%arg5 : memref<112x224xf32, #tpu.memory_space<vmem>>)
      %gt3A = arith.constant 0 : i32
      %gt3A_102 = arith.cmpi sgt, %scan3A_82, %gt3A : i32
      %convert_element_type3A = arith.extui %gt3A_102 : i1 to i32
      %cond3A = arith.constant 0 : i32
      %cond3A_103 = arith.cmpi ne, %convert_element_type3A, %cond3A : i32
      scf.if %cond3A_103 {
        %sub3A_146 = arith.constant 1 : i32
        %sub3A_147 = arith.subi %add3A_85, %sub3A_146 : i32
        %dma_wait3A_148 = arith.constant 0 : i32
        %dma_wait3A_149 = arith.constant 0 : i32
        %dma_wait3A_150 = tpu.memref_slice %arg3[%sub3A_147, %dma_wait3A_148, %dma_wait3A_149] : memref<768x112x112xf32, #tpu.memory_space<hbm>> -> memref<1x56x112xf32, #tpu.memory_space<hbm>>
        %dma_wait3A_151 = tpu.memref_squeeze %dma_wait3A_150 : memref<1x56x112xf32, #tpu.memory_space<hbm>> -> memref<56x112xf32, #tpu.memory_space<hbm>>
        %dma_wait3A_152 = arith.constant 0 : i32
        %dma_wait3A_153 = arith.constant 0 : i32
        %dma_wait3A_154 = tpu.memref_slice %arg3[%sub3A_147, %dma_wait3A_152, %dma_wait3A_153] : memref<768x112x112xf32, #tpu.memory_space<hbm>> -> memref<1x56x112xf32, #tpu.memory_space<hbm>>
        %dma_wait3A_155 = tpu.memref_squeeze %dma_wait3A_154 : memref<1x56x112xf32, #tpu.memory_space<hbm>> -> memref<56x112xf32, #tpu.memory_space<hbm>>
        tpu.wait_dma2 semaphore(%arg11 : memref<!tpu.dma_semaphore, #tpu.memory_space<semaphore_mem>>) src(%arg7 : memref<56x112xf32, #tpu.memory_space<vmem>>) dst(%dma_wait3A_155 : memref<56x112xf32, #tpu.memory_space<hbm>>)
      } else {
      }
      %parallel_loop3A = arith.constant 0 : i32
      %parallel_loop3A_104 = arith.constant 56 : i32
      %parallel_loop3A_105 = arith.constant 1 : i32
      %parallel_loop3A_106:2 = scf.for %parallel_loop3A_146 = %parallel_loop3A to %parallel_loop3A_104 step %parallel_loop3A_105 iter_args(%parallel_loop3A_147 = %scan3A_83, %parallel_loop3A_148 = %scan3A_84) -> (vector<16xf32>, vector<16xf32>)  : i32 {
        %parallel_loop3A_149 = arith.constant 2 : i32
        %parallel_loop3A_150 = arith.muli %parallel_loop3A_149, %parallel_loop3A_146 : i32
        %parallel_loop3A_151 = vector.broadcast %parallel_loop3A_150 : i32 to vector<16xi32>
        %parallel_loop3A_152 = arith.constant 1 : i32
        %parallel_loop3A_153 = vector.broadcast %parallel_loop3A_152 : i32 to vector<16xi32>
        %parallel_loop3A_154 = arith.addi %parallel_loop3A_151, %parallel_loop3A_153 : vector<16xi32>
        %parallel_loop3A_155 = arith.constant 1 : i32
        %parallel_loop3A_156 = vector.broadcast %parallel_loop3A_155 : i32 to vector<16xi32>
        %parallel_loop3A_157 = arith.addi %add3A_8, %parallel_loop3A_156 : vector<16xi32>
        %parallel_loop3A_158 = tpu.vector_load_idx %arg5[%parallel_loop3A_151, %add3A_8] : memref<112x224xf32, #tpu.memory_space<vmem>>[vector<16xi32>, vector<16xi32>], vector<16xf32>,
        %parallel_loop3A_159 = tpu.vector_load_idx %arg5[%parallel_loop3A_151, %parallel_loop3A_157] : memref<112x224xf32, #tpu.memory_space<vmem>>[vector<16xi32>, vector<16xi32>], vector<16xf32>,
        %parallel_loop3A_160 = tpu.vector_load_idx %arg5[%parallel_loop3A_154, %add3A_8] : memref<112x224xf32, #tpu.memory_space<vmem>>[vector<16xi32>, vector<16xi32>], vector<16xf32>,
        %parallel_loop3A_161 = tpu.vector_load_idx %arg5[%parallel_loop3A_154, %parallel_loop3A_157] : memref<112x224xf32, #tpu.memory_space<vmem>>[vector<16xi32>, vector<16xi32>], vector<16xf32>,
        %parallel_loop3A_162 = arith.maximumf %parallel_loop3A_158, %parallel_loop3A_159 : vector<16xf32>
        %parallel_loop3A_163 = arith.maximumf %parallel_loop3A_160, %parallel_loop3A_161 : vector<16xf32>
        %parallel_loop3A_164 = arith.maximumf %parallel_loop3A_162, %parallel_loop3A_163 : vector<16xf32>
        %parallel_loop3A_165 = arith.index_cast %parallel_loop3A_146 : i32 to index
        %parallel_loop3A_166 = arith.constant 0 : index
        %parallel_loop3A_167 = tpu.vector_load %arg7[%parallel_loop3A_165, %parallel_loop3A_166] {strides = array<i32>} : memref<56x112xf32, #tpu.memory_space<vmem>>, vector<16xf32>,
        tpu.vector_store %arg7[%parallel_loop3A_165, %parallel_loop3A_166], %parallel_loop3A_164 {strides = array<i32>} : memref<56x112xf32, #tpu.memory_space<vmem>>, vector<16xf32>,
        %parallel_loop3A_168 = arith.subf %parallel_loop3A_164, %parallel_loop3A_158 : vector<16xf32>
        %parallel_loop3A_169 = arith.subf %parallel_loop3A_164, %parallel_loop3A_159 : vector<16xf32>
        %parallel_loop3A_170 = arith.subf %parallel_loop3A_164, %parallel_loop3A_160 : vector<16xf32>
        %parallel_loop3A_171 = arith.subf %parallel_loop3A_164, %parallel_loop3A_161 : vector<16xf32>
        %parallel_loop3A_172 = arith.mulf %parallel_loop3A_168, %parallel_loop3A_168 : vector<16xf32>
        %parallel_loop3A_173 = arith.mulf %parallel_loop3A_169, %parallel_loop3A_169 : vector<16xf32>
        %parallel_loop3A_174 = arith.addf %parallel_loop3A_172, %parallel_loop3A_173 : vector<16xf32>
        %parallel_loop3A_175 = arith.addf %parallel_loop3A_147, %parallel_loop3A_174 : vector<16xf32>
        %parallel_loop3A_176 = arith.mulf %parallel_loop3A_170, %parallel_loop3A_170 : vector<16xf32>
        %parallel_loop3A_177 = arith.mulf %parallel_loop3A_171, %parallel_loop3A_171 : vector<16xf32>
        %parallel_loop3A_178 = arith.addf %parallel_loop3A_176, %parallel_loop3A_177 : vector<16xf32>
        %parallel_loop3A_179 = arith.addf %parallel_loop3A_148, %parallel_loop3A_178 : vector<16xf32>
        %parallel_loop3A_180 = arith.constant 1 : i32
        %parallel_loop3A_181 = vector.broadcast %parallel_loop3A_180 : i32 to vector<16xi32>
        %parallel_loop3A_182 = arith.addi %add3A_14, %parallel_loop3A_181 : vector<16xi32>
        %parallel_loop3A_183 = tpu.vector_load_idx %arg5[%parallel_loop3A_151, %add3A_14] : memref<112x224xf32, #tpu.memory_space<vmem>>[vector<16xi32>, vector<16xi32>], vector<16xf32>,
        %parallel_loop3A_184 = tpu.vector_load_idx %arg5[%parallel_loop3A_151, %parallel_loop3A_182] : memref<112x224xf32, #tpu.memory_space<vmem>>[vector<16xi32>, vector<16xi32>], vector<16xf32>,
        %parallel_loop3A_185 = tpu.vector_load_idx %arg5[%parallel_loop3A_154, %add3A_14] : memref<112x224xf32, #tpu.memory_space<vmem>>[vector<16xi32>, vector<16xi32>], vector<16xf32>,
        %parallel_loop3A_186 = tpu.vector_load_idx %arg5[%parallel_loop3A_154, %parallel_loop3A_182] : memref<112x224xf32, #tpu.memory_space<vmem>>[vector<16xi32>, vector<16xi32>], vector<16xf32>,
        %parallel_loop3A_187 = arith.maximumf %parallel_loop3A_183, %parallel_loop3A_184 : vector<16xf32>
        %parallel_loop3A_188 = arith.maximumf %parallel_loop3A_185, %parallel_loop3A_186 : vector<16xf32>
        %parallel_loop3A_189 = arith.maximumf %parallel_loop3A_187, %parallel_loop3A_188 : vector<16xf32>
        %parallel_loop3A_190 = arith.index_cast %parallel_loop3A_146 : i32 to index
        %parallel_loop3A_191 = arith.constant 16 : index
        %parallel_loop3A_192 = tpu.vector_load %arg7[%parallel_loop3A_190, %parallel_loop3A_191] {strides = array<i32>} : memref<56x112xf32, #tpu.memory_space<vmem>>, vector<16xf32>,
        tpu.vector_store %arg7[%parallel_loop3A_190, %parallel_loop3A_191], %parallel_loop3A_189 {strides = array<i32>} : memref<56x112xf32, #tpu.memory_space<vmem>>, vector<16xf32>,
        %parallel_loop3A_193 = arith.subf %parallel_loop3A_189, %parallel_loop3A_183 : vector<16xf32>
        %parallel_loop3A_194 = arith.subf %parallel_loop3A_189, %parallel_loop3A_184 : vector<16xf32>
        %parallel_loop3A_195 = arith.subf %parallel_loop3A_189, %parallel_loop3A_185 : vector<16xf32>
        %parallel_loop3A_196 = arith.subf %parallel_loop3A_189, %parallel_loop3A_186 : vector<16xf32>
        %parallel_loop3A_197 = arith.mulf %parallel_loop3A_193, %parallel_loop3A_193 : vector<16xf32>
        %parallel_loop3A_198 = arith.mulf %parallel_loop3A_194, %parallel_loop3A_194 : vector<16xf32>
        %parallel_loop3A_199 = arith.addf %parallel_loop3A_197, %parallel_loop3A_198 : vector<16xf32>
        %parallel_loop3A_200 = arith.addf %parallel_loop3A_175, %parallel_loop3A_199 : vector<16xf32>
        %parallel_loop3A_201 = arith.mulf %parallel_loop3A_195, %parallel_loop3A_195 : vector<16xf32>
        %parallel_loop3A_202 = arith.mulf %parallel_loop3A_196, %parallel_loop3A_196 : vector<16xf32>
        %parallel_loop3A_203 = arith.addf %parallel_loop3A_201, %parallel_loop3A_202 : vector<16xf32>
        %parallel_loop3A_204 = arith.addf %parallel_loop3A_179, %parallel_loop3A_203 : vector<16xf32>
        %parallel_loop3A_205 = arith.constant 1 : i32
        %parallel_loop3A_206 = vector.broadcast %parallel_loop3A_205 : i32 to vector<16xi32>
        %parallel_loop3A_207 = arith.addi %add3A_20, %parallel_loop3A_206 : vector<16xi32>
        %parallel_loop3A_208 = tpu.vector_load_idx %arg5[%parallel_loop3A_151, %add3A_20] : memref<112x224xf32, #tpu.memory_space<vmem>>[vector<16xi32>, vector<16xi32>], vector<16xf32>,
        %parallel_loop3A_209 = tpu.vector_load_idx %arg5[%parallel_loop3A_151, %parallel_loop3A_207] : memref<112x224xf32, #tpu.memory_space<vmem>>[vector<16xi32>, vector<16xi32>], vector<16xf32>,
        %parallel_loop3A_210 = tpu.vector_load_idx %arg5[%parallel_loop3A_154, %add3A_20] : memref<112x224xf32, #tpu.memory_space<vmem>>[vector<16xi32>, vector<16xi32>], vector<16xf32>,
        %parallel_loop3A_211 = tpu.vector_load_idx %arg5[%parallel_loop3A_154, %parallel_loop3A_207] : memref<112x224xf32, #tpu.memory_space<vmem>>[vector<16xi32>, vector<16xi32>], vector<16xf32>,
        %parallel_loop3A_212 = arith.maximumf %parallel_loop3A_208, %parallel_loop3A_209 : vector<16xf32>
        %parallel_loop3A_213 = arith.maximumf %parallel_loop3A_210, %parallel_loop3A_211 : vector<16xf32>
        %parallel_loop3A_214 = arith.maximumf %parallel_loop3A_212, %parallel_loop3A_213 : vector<16xf32>
        %parallel_loop3A_215 = arith.index_cast %parallel_loop3A_146 : i32 to index
        %parallel_loop3A_216 = arith.constant 32 : index
        %parallel_loop3A_217 = tpu.vector_load %arg7[%parallel_loop3A_215, %parallel_loop3A_216] {strides = array<i32>} : memref<56x112xf32, #tpu.memory_space<vmem>>, vector<16xf32>,
        tpu.vector_store %arg7[%parallel_loop3A_215, %parallel_loop3A_216], %parallel_loop3A_214 {strides = array<i32>} : memref<56x112xf32, #tpu.memory_space<vmem>>, vector<16xf32>,
        %parallel_loop3A_218 = arith.subf %parallel_loop3A_214, %parallel_loop3A_208 : vector<16xf32>
        %parallel_loop3A_219 = arith.subf %parallel_loop3A_214, %parallel_loop3A_209 : vector<16xf32>
        %parallel_loop3A_220 = arith.subf %parallel_loop3A_214, %parallel_loop3A_210 : vector<16xf32>
        %parallel_loop3A_221 = arith.subf %parallel_loop3A_214, %parallel_loop3A_211 : vector<16xf32>
        %parallel_loop3A_222 = arith.mulf %parallel_loop3A_218, %parallel_loop3A_218 : vector<16xf32>
        %parallel_loop3A_223 = arith.mulf %parallel_loop3A_219, %parallel_loop3A_219 : vector<16xf32>
        %parallel_loop3A_224 = arith.addf %parallel_loop3A_222, %parallel_loop3A_223 : vector<16xf32>
        %parallel_loop3A_225 = arith.addf %parallel_loop3A_200, %parallel_loop3A_224 : vector<16xf32>
        %parallel_loop3A_226 = arith.mulf %parallel_loop3A_220, %parallel_loop3A_220 : vector<16xf32>
        %parallel_loop3A_227 = arith.mulf %parallel_loop3A_221, %parallel_loop3A_221 : vector<16xf32>
        %parallel_loop3A_228 = arith.addf %parallel_loop3A_226, %parallel_loop3A_227 : vector<16xf32>
        %parallel_loop3A_229 = arith.addf %parallel_loop3A_204, %parallel_loop3A_228 : vector<16xf32>
        %parallel_loop3A_230 = arith.constant 1 : i32
        %parallel_loop3A_231 = vector.broadcast %parallel_loop3A_230 : i32 to vector<16xi32>
        %parallel_loop3A_232 = arith.addi %add3A_26, %parallel_loop3A_231 : vector<16xi32>
        %parallel_loop3A_233 = tpu.vector_load_idx %arg5[%parallel_loop3A_151, %add3A_26] : memref<112x224xf32, #tpu.memory_space<vmem>>[vector<16xi32>, vector<16xi32>], vector<16xf32>,
        %parallel_loop3A_234 = tpu.vector_load_idx %arg5[%parallel_loop3A_151, %parallel_loop3A_232] : memref<112x224xf32, #tpu.memory_space<vmem>>[vector<16xi32>, vector<16xi32>], vector<16xf32>,
        %parallel_loop3A_235 = tpu.vector_load_idx %arg5[%parallel_loop3A_154, %add3A_26] : memref<112x224xf32, #tpu.memory_space<vmem>>[vector<16xi32>, vector<16xi32>], vector<16xf32>,
        %parallel_loop3A_236 = tpu.vector_load_idx %arg5[%parallel_loop3A_154, %parallel_loop3A_232] : memref<112x224xf32, #tpu.memory_space<vmem>>[vector<16xi32>, vector<16xi32>], vector<16xf32>,
        %parallel_loop3A_237 = arith.maximumf %parallel_loop3A_233, %parallel_loop3A_234 : vector<16xf32>
        %parallel_loop3A_238 = arith.maximumf %parallel_loop3A_235, %parallel_loop3A_236 : vector<16xf32>
        %parallel_loop3A_239 = arith.maximumf %parallel_loop3A_237, %parallel_loop3A_238 : vector<16xf32>
        %parallel_loop3A_240 = arith.index_cast %parallel_loop3A_146 : i32 to index
        %parallel_loop3A_241 = arith.constant 48 : index
        %parallel_loop3A_242 = tpu.vector_load %arg7[%parallel_loop3A_240, %parallel_loop3A_241] {strides = array<i32>} : memref<56x112xf32, #tpu.memory_space<vmem>>, vector<16xf32>,
        tpu.vector_store %arg7[%parallel_loop3A_240, %parallel_loop3A_241], %parallel_loop3A_239 {strides = array<i32>} : memref<56x112xf32, #tpu.memory_space<vmem>>, vector<16xf32>,
        %parallel_loop3A_243 = arith.subf %parallel_loop3A_239, %parallel_loop3A_233 : vector<16xf32>
        %parallel_loop3A_244 = arith.subf %parallel_loop3A_239, %parallel_loop3A_234 : vector<16xf32>
        %parallel_loop3A_245 = arith.subf %parallel_loop3A_239, %parallel_loop3A_235 : vector<16xf32>
        %parallel_loop3A_246 = arith.subf %parallel_loop3A_239, %parallel_loop3A_236 : vector<16xf32>
        %parallel_loop3A_247 = arith.mulf %parallel_loop3A_243, %parallel_loop3A_243 : vector<16xf32>
        %parallel_loop3A_248 = arith.mulf %parallel_loop3A_244, %parallel_loop3A_244 : vector<16xf32>
        %parallel_loop3A_249 = arith.addf %parallel_loop3A_247, %parallel_loop3A_248 : vector<16xf32>
        %parallel_loop3A_250 = arith.addf %parallel_loop3A_225, %parallel_loop3A_249 : vector<16xf32>
        %parallel_loop3A_251 = arith.mulf %parallel_loop3A_245, %parallel_loop3A_245 : vector<16xf32>
        %parallel_loop3A_252 = arith.mulf %parallel_loop3A_246, %parallel_loop3A_246 : vector<16xf32>
        %parallel_loop3A_253 = arith.addf %parallel_loop3A_251, %parallel_loop3A_252 : vector<16xf32>
        %parallel_loop3A_254 = arith.addf %parallel_loop3A_229, %parallel_loop3A_253 : vector<16xf32>
        %parallel_loop3A_255 = arith.constant 1 : i32
        %parallel_loop3A_256 = vector.broadcast %parallel_loop3A_255 : i32 to vector<16xi32>
        %parallel_loop3A_257 = arith.addi %add3A_32, %parallel_loop3A_256 : vector<16xi32>
        %parallel_loop3A_258 = tpu.vector_load_idx %arg5[%parallel_loop3A_151, %add3A_32] : memref<112x224xf32, #tpu.memory_space<vmem>>[vector<16xi32>, vector<16xi32>], vector<16xf32>,
        %parallel_loop3A_259 = tpu.vector_load_idx %arg5[%parallel_loop3A_151, %parallel_loop3A_257] : memref<112x224xf32, #tpu.memory_space<vmem>>[vector<16xi32>, vector<16xi32>], vector<16xf32>,
        %parallel_loop3A_260 = tpu.vector_load_idx %arg5[%parallel_loop3A_154, %add3A_32] : memref<112x224xf32, #tpu.memory_space<vmem>>[vector<16xi32>, vector<16xi32>], vector<16xf32>,
        %parallel_loop3A_261 = tpu.vector_load_idx %arg5[%parallel_loop3A_154, %parallel_loop3A_257] : memref<112x224xf32, #tpu.memory_space<vmem>>[vector<16xi32>, vector<16xi32>], vector<16xf32>,
        %parallel_loop3A_262 = arith.maximumf %parallel_loop3A_258, %parallel_loop3A_259 : vector<16xf32>
        %parallel_loop3A_263 = arith.maximumf %parallel_loop3A_260, %parallel_loop3A_261 : vector<16xf32>
        %parallel_loop3A_264 = arith.maximumf %parallel_loop3A_262, %parallel_loop3A_263 : vector<16xf32>
        %parallel_loop3A_265 = arith.index_cast %parallel_loop3A_146 : i32 to index
        %parallel_loop3A_266 = arith.constant 64 : index
        %parallel_loop3A_267 = tpu.vector_load %arg7[%parallel_loop3A_265, %parallel_loop3A_266] {strides = array<i32>} : memref<56x112xf32, #tpu.memory_space<vmem>>, vector<16xf32>,
        tpu.vector_store %arg7[%parallel_loop3A_265, %parallel_loop3A_266], %parallel_loop3A_264 {strides = array<i32>} : memref<56x112xf32, #tpu.memory_space<vmem>>, vector<16xf32>,
        %parallel_loop3A_268 = arith.subf %parallel_loop3A_264, %parallel_loop3A_258 : vector<16xf32>
        %parallel_loop3A_269 = arith.subf %parallel_loop3A_264, %parallel_loop3A_259 : vector<16xf32>
        %parallel_loop3A_270 = arith.subf %parallel_loop3A_264, %parallel_loop3A_260 : vector<16xf32>
        %parallel_loop3A_271 = arith.subf %parallel_loop3A_264, %parallel_loop3A_261 : vector<16xf32>
        %parallel_loop3A_272 = arith.mulf %parallel_loop3A_268, %parallel_loop3A_268 : vector<16xf32>
        %parallel_loop3A_273 = arith.mulf %parallel_loop3A_269, %parallel_loop3A_269 : vector<16xf32>
        %parallel_loop3A_274 = arith.addf %parallel_loop3A_272, %parallel_loop3A_273 : vector<16xf32>
        %parallel_loop3A_275 = arith.addf %parallel_loop3A_250, %parallel_loop3A_274 : vector<16xf32>
        %parallel_loop3A_276 = arith.mulf %parallel_loop3A_270, %parallel_loop3A_270 : vector<16xf32>
        %parallel_loop3A_277 = arith.mulf %parallel_loop3A_271, %parallel_loop3A_271 : vector<16xf32>
        %parallel_loop3A_278 = arith.addf %parallel_loop3A_276, %parallel_loop3A_277 : vector<16xf32>
        %parallel_loop3A_279 = arith.addf %parallel_loop3A_254, %parallel_loop3A_278 : vector<16xf32>
        %parallel_loop3A_280 = arith.constant 1 : i32
        %parallel_loop3A_281 = vector.broadcast %parallel_loop3A_280 : i32 to vector<16xi32>
        %parallel_loop3A_282 = arith.addi %add3A_38, %parallel_loop3A_281 : vector<16xi32>
        %parallel_loop3A_283 = tpu.vector_load_idx %arg5[%parallel_loop3A_151, %add3A_38] : memref<112x224xf32, #tpu.memory_space<vmem>>[vector<16xi32>, vector<16xi32>], vector<16xf32>,
        %parallel_loop3A_284 = tpu.vector_load_idx %arg5[%parallel_loop3A_151, %parallel_loop3A_282] : memref<112x224xf32, #tpu.memory_space<vmem>>[vector<16xi32>, vector<16xi32>], vector<16xf32>,
        %parallel_loop3A_285 = tpu.vector_load_idx %arg5[%parallel_loop3A_154, %add3A_38] : memref<112x224xf32, #tpu.memory_space<vmem>>[vector<16xi32>, vector<16xi32>], vector<16xf32>,
        %parallel_loop3A_286 = tpu.vector_load_idx %arg5[%parallel_loop3A_154, %parallel_loop3A_282] : memref<112x224xf32, #tpu.memory_space<vmem>>[vector<16xi32>, vector<16xi32>], vector<16xf32>,
        %parallel_loop3A_287 = arith.maximumf %parallel_loop3A_283, %parallel_loop3A_284 : vector<16xf32>
        %parallel_loop3A_288 = arith.maximumf %parallel_loop3A_285, %parallel_loop3A_286 : vector<16xf32>
        %parallel_loop3A_289 = arith.maximumf %parallel_loop3A_287, %parallel_loop3A_288 : vector<16xf32>
        %parallel_loop3A_290 = arith.index_cast %parallel_loop3A_146 : i32 to index
        %parallel_loop3A_291 = arith.constant 80 : index
        %parallel_loop3A_292 = tpu.vector_load %arg7[%parallel_loop3A_290, %parallel_loop3A_291] {strides = array<i32>} : memref<56x112xf32, #tpu.memory_space<vmem>>, vector<16xf32>,
        tpu.vector_store %arg7[%parallel_loop3A_290, %parallel_loop3A_291], %parallel_loop3A_289 {strides = array<i32>} : memref<56x112xf32, #tpu.memory_space<vmem>>, vector<16xf32>,
        %parallel_loop3A_293 = arith.subf %parallel_loop3A_289, %parallel_loop3A_283 : vector<16xf32>
        %parallel_loop3A_294 = arith.subf %parallel_loop3A_289, %parallel_loop3A_284 : vector<16xf32>
        %parallel_loop3A_295 = arith.subf %parallel_loop3A_289, %parallel_loop3A_285 : vector<16xf32>
        %parallel_loop3A_296 = arith.subf %parallel_loop3A_289, %parallel_loop3A_286 : vector<16xf32>
        %parallel_loop3A_297 = arith.mulf %parallel_loop3A_293, %parallel_loop3A_293 : vector<16xf32>
        %parallel_loop3A_298 = arith.mulf %parallel_loop3A_294, %parallel_loop3A_294 : vector<16xf32>
        %parallel_loop3A_299 = arith.addf %parallel_loop3A_297, %parallel_loop3A_298 : vector<16xf32>
        %parallel_loop3A_300 = arith.addf %parallel_loop3A_275, %parallel_loop3A_299 : vector<16xf32>
        %parallel_loop3A_301 = arith.mulf %parallel_loop3A_295, %parallel_loop3A_295 : vector<16xf32>
        %parallel_loop3A_302 = arith.mulf %parallel_loop3A_296, %parallel_loop3A_296 : vector<16xf32>
        %parallel_loop3A_303 = arith.addf %parallel_loop3A_301, %parallel_loop3A_302 : vector<16xf32>
        %parallel_loop3A_304 = arith.addf %parallel_loop3A_279, %parallel_loop3A_303 : vector<16xf32>
        %parallel_loop3A_305 = arith.constant 1 : i32
        %parallel_loop3A_306 = vector.broadcast %parallel_loop3A_305 : i32 to vector<16xi32>
        %parallel_loop3A_307 = arith.addi %add3A_44, %parallel_loop3A_306 : vector<16xi32>
        %parallel_loop3A_308 = tpu.vector_load_idx %arg5[%parallel_loop3A_151, %add3A_44] : memref<112x224xf32, #tpu.memory_space<vmem>>[vector<16xi32>, vector<16xi32>], vector<16xf32>,
        %parallel_loop3A_309 = tpu.vector_load_idx %arg5[%parallel_loop3A_151, %parallel_loop3A_307] : memref<112x224xf32, #tpu.memory_space<vmem>>[vector<16xi32>, vector<16xi32>], vector<16xf32>,
        %parallel_loop3A_310 = tpu.vector_load_idx %arg5[%parallel_loop3A_154, %add3A_44] : memref<112x224xf32, #tpu.memory_space<vmem>>[vector<16xi32>, vector<16xi32>], vector<16xf32>,
        %parallel_loop3A_311 = tpu.vector_load_idx %arg5[%parallel_loop3A_154, %parallel_loop3A_307] : memref<112x224xf32, #tpu.memory_space<vmem>>[vector<16xi32>, vector<16xi32>], vector<16xf32>,
        %parallel_loop3A_312 = arith.maximumf %parallel_loop3A_308, %parallel_loop3A_309 : vector<16xf32>
        %parallel_loop3A_313 = arith.maximumf %parallel_loop3A_310, %parallel_loop3A_311 : vector<16xf32>
        %parallel_loop3A_314 = arith.maximumf %parallel_loop3A_312, %parallel_loop3A_313 : vector<16xf32>
        %parallel_loop3A_315 = arith.index_cast %parallel_loop3A_146 : i32 to index
        %parallel_loop3A_316 = arith.constant 96 : index
        %parallel_loop3A_317 = tpu.vector_load %arg7[%parallel_loop3A_315, %parallel_loop3A_316] {strides = array<i32>} : memref<56x112xf32, #tpu.memory_space<vmem>>, vector<16xf32>,
        tpu.vector_store %arg7[%parallel_loop3A_315, %parallel_loop3A_316], %parallel_loop3A_314 {strides = array<i32>} : memref<56x112xf32, #tpu.memory_space<vmem>>, vector<16xf32>,
        %parallel_loop3A_318 = arith.subf %parallel_loop3A_314, %parallel_loop3A_308 : vector<16xf32>
        %parallel_loop3A_319 = arith.subf %parallel_loop3A_314, %parallel_loop3A_309 : vector<16xf32>
        %parallel_loop3A_320 = arith.subf %parallel_loop3A_314, %parallel_loop3A_310 : vector<16xf32>
        %parallel_loop3A_321 = arith.subf %parallel_loop3A_314, %parallel_loop3A_311 : vector<16xf32>
        %parallel_loop3A_322 = arith.mulf %parallel_loop3A_318, %parallel_loop3A_318 : vector<16xf32>
        %parallel_loop3A_323 = arith.mulf %parallel_loop3A_319, %parallel_loop3A_319 : vector<16xf32>
        %parallel_loop3A_324 = arith.addf %parallel_loop3A_322, %parallel_loop3A_323 : vector<16xf32>
        %parallel_loop3A_325 = arith.addf %parallel_loop3A_300, %parallel_loop3A_324 : vector<16xf32>
        %parallel_loop3A_326 = arith.mulf %parallel_loop3A_320, %parallel_loop3A_320 : vector<16xf32>
        %parallel_loop3A_327 = arith.mulf %parallel_loop3A_321, %parallel_loop3A_321 : vector<16xf32>
        %parallel_loop3A_328 = arith.addf %parallel_loop3A_326, %parallel_loop3A_327 : vector<16xf32>
        %parallel_loop3A_329 = arith.addf %parallel_loop3A_304, %parallel_loop3A_328 : vector<16xf32>
        scf.yield %parallel_loop3A_325, %parallel_loop3A_329 : vector<16xf32>, vector<16xf32>
      } {sc.loop_unroll_factor = 1 : i64, sc.parallel_access}
      %dma_start3A_107 = arith.constant 0 : i32
      %dma_start3A_108 = arith.constant 0 : i32
      %dma_start3A_109 = tpu.memref_slice %arg3[%add3A_85, %dma_start3A_107, %dma_start3A_108] : memref<768x112x112xf32, #tpu.memory_space<hbm>> -> memref<1x56x112xf32, #tpu.memory_space<hbm>>
      %dma_start3A_110 = tpu.memref_squeeze %dma_start3A_109 : memref<1x56x112xf32, #tpu.memory_space<hbm>> -> memref<56x112xf32, #tpu.memory_space<hbm>>
      %dma_start3A_111 = arith.constant 0 : i32
      %dma_start3A_112 = arith.constant 0 : i32
      %dma_start3A_113 = tpu.memref_slice %arg3[%add3A_85, %dma_start3A_111, %dma_start3A_112] : memref<768x112x112xf32, #tpu.memory_space<hbm>> -> memref<1x56x112xf32, #tpu.memory_space<hbm>>
      %dma_start3A_114 = tpu.memref_squeeze %dma_start3A_113 : memref<1x56x112xf32, #tpu.memory_space<hbm>> -> memref<56x112xf32, #tpu.memory_space<hbm>>
      tpu.enqueue_dma source(%arg7 : memref<56x112xf32, #tpu.memory_space<vmem>>) target(%dma_start3A_114 : memref<56x112xf32, #tpu.memory_space<hbm>>) target_semaphore(%arg11 : memref<!tpu.dma_semaphore, #tpu.memory_space<semaphore_mem>>)
      %add3A_115 = arith.constant 1 : i32
      %add3A_116 = arith.addi %scan3A_82, %add3A_115 : i32
      %lt3A = arith.constant 24 : i32
      %lt3A_117 = arith.cmpi slt, %add3A_116, %lt3A : i32
      %convert_element_type3A_118 = arith.extui %lt3A_117 : i1 to i32
      %cond3A_119 = arith.constant 0 : i32
      %cond3A_120 = arith.cmpi ne, %convert_element_type3A_118, %cond3A_119 : i32
      scf.if %cond3A_120 {
        %add3A_146 = arith.constant 1 : i32
        %add3A_147 = arith.addi %add3A_85, %add3A_146 : i32
        %dma_start3A_148 = arith.constant 0 : i32
        %dma_start3A_149 = arith.constant 0 : i32
        %dma_start3A_150 = tpu.memref_slice %arg2[%add3A_147, %dma_start3A_148, %dma_start3A_149] : memref<768x224x224xf32, #tpu.memory_space<hbm>> -> memref<1x112x224xf32, #tpu.memory_space<hbm>>
        %dma_start3A_151 = tpu.memref_squeeze %dma_start3A_150 : memref<1x112x224xf32, #tpu.memory_space<hbm>> -> memref<112x224xf32, #tpu.memory_space<hbm>>
        %dma_start3A_152 = arith.constant 0 : i32
        %dma_start3A_153 = arith.constant 0 : i32
        %dma_start3A_154 = tpu.memref_slice %arg2[%add3A_147, %dma_start3A_152, %dma_start3A_153] : memref<768x224x224xf32, #tpu.memory_space<hbm>> -> memref<1x112x224xf32, #tpu.memory_space<hbm>>
        %dma_start3A_155 = tpu.memref_squeeze %dma_start3A_154 : memref<1x112x224xf32, #tpu.memory_space<hbm>> -> memref<112x224xf32, #tpu.memory_space<hbm>>
        tpu.enqueue_dma source(%dma_start3A_155 : memref<112x224xf32, #tpu.memory_space<hbm>>) target(%arg5 : memref<112x224xf32, #tpu.memory_space<vmem>>) target_semaphore(%arg9 : memref<!tpu.dma_semaphore, #tpu.memory_space<semaphore_mem>>)
      } else {
      }
      %dma_wait3A_121 = arith.constant 112 : i32
      %dma_wait3A_122 = arith.constant 0 : i32
      %dma_wait3A_123 = tpu.memref_slice %arg2[%add3A_85, %dma_wait3A_121, %dma_wait3A_122] : memref<768x224x224xf32, #tpu.memory_space<hbm>> -> memref<1x112x224xf32, #tpu.memory_space<hbm>>
      %dma_wait3A_124 = tpu.memref_squeeze %dma_wait3A_123 : memref<1x112x224xf32, #tpu.memory_space<hbm>> -> memref<112x224xf32, #tpu.memory_space<hbm>>
      %dma_wait3A_125 = arith.constant 112 : i32
      %dma_wait3A_126 = arith.constant 0 : i32
      %dma_wait3A_127 = tpu.memref_slice %arg2[%add3A_85, %dma_wait3A_125, %dma_wait3A_126] : memref<768x224x224xf32, #tpu.memory_space<hbm>> -> memref<1x112x224xf32, #tpu.memory_space<hbm>>
      %dma_wait3A_128 = tpu.memref_squeeze %dma_wait3A_127 : memref<1x112x224xf32, #tpu.memory_space<hbm>> -> memref<112x224xf32, #tpu.memory_space<hbm>>
      tpu.wait_dma2 semaphore(%arg10 : memref<!tpu.dma_semaphore, #tpu.memory_space<semaphore_mem>>) src(%dma_wait3A_128 : memref<112x224xf32, #tpu.memory_space<hbm>>) dst(%arg6 : memref<112x224xf32, #tpu.memory_space<vmem>>)
      %gt3A_129 = arith.constant 0 : i32
      %gt3A_130 = arith.cmpi sgt, %scan3A_82, %gt3A_129 : i32
      %convert_element_type3A_131 = arith.extui %gt3A_130 : i1 to i32
      %cond3A_132 = arith.constant 0 : i32
      %cond3A_133 = arith.cmpi ne, %convert_element_type3A_131, %cond3A_132 : i32
      scf.if %cond3A_133 {
        %sub3A_146 = arith.constant 1 : i32
        %sub3A_147 = arith.subi %add3A_85, %sub3A_146 : i32
        %dma_wait3A_148 = arith.constant 56 : i32
        %dma_wait3A_149 = arith.constant 0 : i32
        %dma_wait3A_150 = tpu.memref_slice %arg3[%sub3A_147, %dma_wait3A_148, %dma_wait3A_149] : memref<768x112x112xf32, #tpu.memory_space<hbm>> -> memref<1x56x112xf32, #tpu.memory_space<hbm>>
        %dma_wait3A_151 = tpu.memref_squeeze %dma_wait3A_150 : memref<1x56x112xf32, #tpu.memory_space<hbm>> -> memref<56x112xf32, #tpu.memory_space<hbm>>
        %dma_wait3A_152 = arith.constant 56 : i32
        %dma_wait3A_153 = arith.constant 0 : i32
        %dma_wait3A_154 = tpu.memref_slice %arg3[%sub3A_147, %dma_wait3A_152, %dma_wait3A_153] : memref<768x112x112xf32, #tpu.memory_space<hbm>> -> memref<1x56x112xf32, #tpu.memory_space<hbm>>
        %dma_wait3A_155 = tpu.memref_squeeze %dma_wait3A_154 : memref<1x56x112xf32, #tpu.memory_space<hbm>> -> memref<56x112xf32, #tpu.memory_space<hbm>>
        tpu.wait_dma2 semaphore(%arg12 : memref<!tpu.dma_semaphore, #tpu.memory_space<semaphore_mem>>) src(%arg8 : memref<56x112xf32, #tpu.memory_space<vmem>>) dst(%dma_wait3A_155 : memref<56x112xf32, #tpu.memory_space<hbm>>)
      } else {
      }
      %parallel_loop3A_134 = arith.constant 0 : i32
      %parallel_loop3A_135 = arith.constant 56 : i32
      %parallel_loop3A_136 = arith.constant 1 : i32
      %parallel_loop3A_137:2 = scf.for %parallel_loop3A_146 = %parallel_loop3A_134 to %parallel_loop3A_135 step %parallel_loop3A_136 iter_args(%parallel_loop3A_147 = %parallel_loop3A_106#0, %parallel_loop3A_148 = %parallel_loop3A_106#1) -> (vector<16xf32>, vector<16xf32>)  : i32 {
        %parallel_loop3A_149 = arith.constant 2 : i32
        %parallel_loop3A_150 = arith.muli %parallel_loop3A_149, %parallel_loop3A_146 : i32
        %parallel_loop3A_151 = vector.broadcast %parallel_loop3A_150 : i32 to vector<16xi32>
        %parallel_loop3A_152 = arith.constant 1 : i32
        %parallel_loop3A_153 = vector.broadcast %parallel_loop3A_152 : i32 to vector<16xi32>
        %parallel_loop3A_154 = arith.addi %parallel_loop3A_151, %parallel_loop3A_153 : vector<16xi32>
        %parallel_loop3A_155 = arith.constant 1 : i32
        %parallel_loop3A_156 = vector.broadcast %parallel_loop3A_155 : i32 to vector<16xi32>
        %parallel_loop3A_157 = arith.addi %add3A_8, %parallel_loop3A_156 : vector<16xi32>
        %parallel_loop3A_158 = tpu.vector_load_idx %arg6[%parallel_loop3A_151, %add3A_8] : memref<112x224xf32, #tpu.memory_space<vmem>>[vector<16xi32>, vector<16xi32>], vector<16xf32>,
        %parallel_loop3A_159 = tpu.vector_load_idx %arg6[%parallel_loop3A_151, %parallel_loop3A_157] : memref<112x224xf32, #tpu.memory_space<vmem>>[vector<16xi32>, vector<16xi32>], vector<16xf32>,
        %parallel_loop3A_160 = tpu.vector_load_idx %arg6[%parallel_loop3A_154, %add3A_8] : memref<112x224xf32, #tpu.memory_space<vmem>>[vector<16xi32>, vector<16xi32>], vector<16xf32>,
        %parallel_loop3A_161 = tpu.vector_load_idx %arg6[%parallel_loop3A_154, %parallel_loop3A_157] : memref<112x224xf32, #tpu.memory_space<vmem>>[vector<16xi32>, vector<16xi32>], vector<16xf32>,
        %parallel_loop3A_162 = arith.maximumf %parallel_loop3A_158, %parallel_loop3A_159 : vector<16xf32>
        %parallel_loop3A_163 = arith.maximumf %parallel_loop3A_160, %parallel_loop3A_161 : vector<16xf32>
        %parallel_loop3A_164 = arith.maximumf %parallel_loop3A_162, %parallel_loop3A_163 : vector<16xf32>
        %parallel_loop3A_165 = arith.index_cast %parallel_loop3A_146 : i32 to index
        %parallel_loop3A_166 = arith.constant 0 : index
        %parallel_loop3A_167 = tpu.vector_load %arg8[%parallel_loop3A_165, %parallel_loop3A_166] {strides = array<i32>} : memref<56x112xf32, #tpu.memory_space<vmem>>, vector<16xf32>,
        tpu.vector_store %arg8[%parallel_loop3A_165, %parallel_loop3A_166], %parallel_loop3A_164 {strides = array<i32>} : memref<56x112xf32, #tpu.memory_space<vmem>>, vector<16xf32>,
        %parallel_loop3A_168 = arith.subf %parallel_loop3A_164, %parallel_loop3A_158 : vector<16xf32>
        %parallel_loop3A_169 = arith.subf %parallel_loop3A_164, %parallel_loop3A_159 : vector<16xf32>
        %parallel_loop3A_170 = arith.subf %parallel_loop3A_164, %parallel_loop3A_160 : vector<16xf32>
        %parallel_loop3A_171 = arith.subf %parallel_loop3A_164, %parallel_loop3A_161 : vector<16xf32>
        %parallel_loop3A_172 = arith.mulf %parallel_loop3A_168, %parallel_loop3A_168 : vector<16xf32>
        %parallel_loop3A_173 = arith.mulf %parallel_loop3A_169, %parallel_loop3A_169 : vector<16xf32>
        %parallel_loop3A_174 = arith.addf %parallel_loop3A_172, %parallel_loop3A_173 : vector<16xf32>
        %parallel_loop3A_175 = arith.addf %parallel_loop3A_147, %parallel_loop3A_174 : vector<16xf32>
        %parallel_loop3A_176 = arith.mulf %parallel_loop3A_170, %parallel_loop3A_170 : vector<16xf32>
        %parallel_loop3A_177 = arith.mulf %parallel_loop3A_171, %parallel_loop3A_171 : vector<16xf32>
        %parallel_loop3A_178 = arith.addf %parallel_loop3A_176, %parallel_loop3A_177 : vector<16xf32>
        %parallel_loop3A_179 = arith.addf %parallel_loop3A_148, %parallel_loop3A_178 : vector<16xf32>
        %parallel_loop3A_180 = arith.constant 1 : i32
        %parallel_loop3A_181 = vector.broadcast %parallel_loop3A_180 : i32 to vector<16xi32>
        %parallel_loop3A_182 = arith.addi %add3A_14, %parallel_loop3A_181 : vector<16xi32>
        %parallel_loop3A_183 = tpu.vector_load_idx %arg6[%parallel_loop3A_151, %add3A_14] : memref<112x224xf32, #tpu.memory_space<vmem>>[vector<16xi32>, vector<16xi32>], vector<16xf32>,
        %parallel_loop3A_184 = tpu.vector_load_idx %arg6[%parallel_loop3A_151, %parallel_loop3A_182] : memref<112x224xf32, #tpu.memory_space<vmem>>[vector<16xi32>, vector<16xi32>], vector<16xf32>,
        %parallel_loop3A_185 = tpu.vector_load_idx %arg6[%parallel_loop3A_154, %add3A_14] : memref<112x224xf32, #tpu.memory_space<vmem>>[vector<16xi32>, vector<16xi32>], vector<16xf32>,
        %parallel_loop3A_186 = tpu.vector_load_idx %arg6[%parallel_loop3A_154, %parallel_loop3A_182] : memref<112x224xf32, #tpu.memory_space<vmem>>[vector<16xi32>, vector<16xi32>], vector<16xf32>,
        %parallel_loop3A_187 = arith.maximumf %parallel_loop3A_183, %parallel_loop3A_184 : vector<16xf32>
        %parallel_loop3A_188 = arith.maximumf %parallel_loop3A_185, %parallel_loop3A_186 : vector<16xf32>
        %parallel_loop3A_189 = arith.maximumf %parallel_loop3A_187, %parallel_loop3A_188 : vector<16xf32>
        %parallel_loop3A_190 = arith.index_cast %parallel_loop3A_146 : i32 to index
        %parallel_loop3A_191 = arith.constant 16 : index
        %parallel_loop3A_192 = tpu.vector_load %arg8[%parallel_loop3A_190, %parallel_loop3A_191] {strides = array<i32>} : memref<56x112xf32, #tpu.memory_space<vmem>>, vector<16xf32>,
        tpu.vector_store %arg8[%parallel_loop3A_190, %parallel_loop3A_191], %parallel_loop3A_189 {strides = array<i32>} : memref<56x112xf32, #tpu.memory_space<vmem>>, vector<16xf32>,
        %parallel_loop3A_193 = arith.subf %parallel_loop3A_189, %parallel_loop3A_183 : vector<16xf32>
        %parallel_loop3A_194 = arith.subf %parallel_loop3A_189, %parallel_loop3A_184 : vector<16xf32>
        %parallel_loop3A_195 = arith.subf %parallel_loop3A_189, %parallel_loop3A_185 : vector<16xf32>
        %parallel_loop3A_196 = arith.subf %parallel_loop3A_189, %parallel_loop3A_186 : vector<16xf32>
        %parallel_loop3A_197 = arith.mulf %parallel_loop3A_193, %parallel_loop3A_193 : vector<16xf32>
        %parallel_loop3A_198 = arith.mulf %parallel_loop3A_194, %parallel_loop3A_194 : vector<16xf32>
        %parallel_loop3A_199 = arith.addf %parallel_loop3A_197, %parallel_loop3A_198 : vector<16xf32>
        %parallel_loop3A_200 = arith.addf %parallel_loop3A_175, %parallel_loop3A_199 : vector<16xf32>
        %parallel_loop3A_201 = arith.mulf %parallel_loop3A_195, %parallel_loop3A_195 : vector<16xf32>
        %parallel_loop3A_202 = arith.mulf %parallel_loop3A_196, %parallel_loop3A_196 : vector<16xf32>
        %parallel_loop3A_203 = arith.addf %parallel_loop3A_201, %parallel_loop3A_202 : vector<16xf32>
        %parallel_loop3A_204 = arith.addf %parallel_loop3A_179, %parallel_loop3A_203 : vector<16xf32>
        %parallel_loop3A_205 = arith.constant 1 : i32
        %parallel_loop3A_206 = vector.broadcast %parallel_loop3A_205 : i32 to vector<16xi32>
        %parallel_loop3A_207 = arith.addi %add3A_20, %parallel_loop3A_206 : vector<16xi32>
        %parallel_loop3A_208 = tpu.vector_load_idx %arg6[%parallel_loop3A_151, %add3A_20] : memref<112x224xf32, #tpu.memory_space<vmem>>[vector<16xi32>, vector<16xi32>], vector<16xf32>,
        %parallel_loop3A_209 = tpu.vector_load_idx %arg6[%parallel_loop3A_151, %parallel_loop3A_207] : memref<112x224xf32, #tpu.memory_space<vmem>>[vector<16xi32>, vector<16xi32>], vector<16xf32>,
        %parallel_loop3A_210 = tpu.vector_load_idx %arg6[%parallel_loop3A_154, %add3A_20] : memref<112x224xf32, #tpu.memory_space<vmem>>[vector<16xi32>, vector<16xi32>], vector<16xf32>,
        %parallel_loop3A_211 = tpu.vector_load_idx %arg6[%parallel_loop3A_154, %parallel_loop3A_207] : memref<112x224xf32, #tpu.memory_space<vmem>>[vector<16xi32>, vector<16xi32>], vector<16xf32>,
        %parallel_loop3A_212 = arith.maximumf %parallel_loop3A_208, %parallel_loop3A_209 : vector<16xf32>
        %parallel_loop3A_213 = arith.maximumf %parallel_loop3A_210, %parallel_loop3A_211 : vector<16xf32>
        %parallel_loop3A_214 = arith.maximumf %parallel_loop3A_212, %parallel_loop3A_213 : vector<16xf32>
        %parallel_loop3A_215 = arith.index_cast %parallel_loop3A_146 : i32 to index
        %parallel_loop3A_216 = arith.constant 32 : index
        %parallel_loop3A_217 = tpu.vector_load %arg8[%parallel_loop3A_215, %parallel_loop3A_216] {strides = array<i32>} : memref<56x112xf32, #tpu.memory_space<vmem>>, vector<16xf32>,
        tpu.vector_store %arg8[%parallel_loop3A_215, %parallel_loop3A_216], %parallel_loop3A_214 {strides = array<i32>} : memref<56x112xf32, #tpu.memory_space<vmem>>, vector<16xf32>,
        %parallel_loop3A_218 = arith.subf %parallel_loop3A_214, %parallel_loop3A_208 : vector<16xf32>
        %parallel_loop3A_219 = arith.subf %parallel_loop3A_214, %parallel_loop3A_209 : vector<16xf32>
        %parallel_loop3A_220 = arith.subf %parallel_loop3A_214, %parallel_loop3A_210 : vector<16xf32>
        %parallel_loop3A_221 = arith.subf %parallel_loop3A_214, %parallel_loop3A_211 : vector<16xf32>
        %parallel_loop3A_222 = arith.mulf %parallel_loop3A_218, %parallel_loop3A_218 : vector<16xf32>
        %parallel_loop3A_223 = arith.mulf %parallel_loop3A_219, %parallel_loop3A_219 : vector<16xf32>
        %parallel_loop3A_224 = arith.addf %parallel_loop3A_222, %parallel_loop3A_223 : vector<16xf32>
        %parallel_loop3A_225 = arith.addf %parallel_loop3A_200, %parallel_loop3A_224 : vector<16xf32>
        %parallel_loop3A_226 = arith.mulf %parallel_loop3A_220, %parallel_loop3A_220 : vector<16xf32>
        %parallel_loop3A_227 = arith.mulf %parallel_loop3A_221, %parallel_loop3A_221 : vector<16xf32>
        %parallel_loop3A_228 = arith.addf %parallel_loop3A_226, %parallel_loop3A_227 : vector<16xf32>
        %parallel_loop3A_229 = arith.addf %parallel_loop3A_204, %parallel_loop3A_228 : vector<16xf32>
        %parallel_loop3A_230 = arith.constant 1 : i32
        %parallel_loop3A_231 = vector.broadcast %parallel_loop3A_230 : i32 to vector<16xi32>
        %parallel_loop3A_232 = arith.addi %add3A_26, %parallel_loop3A_231 : vector<16xi32>
        %parallel_loop3A_233 = tpu.vector_load_idx %arg6[%parallel_loop3A_151, %add3A_26] : memref<112x224xf32, #tpu.memory_space<vmem>>[vector<16xi32>, vector<16xi32>], vector<16xf32>,
        %parallel_loop3A_234 = tpu.vector_load_idx %arg6[%parallel_loop3A_151, %parallel_loop3A_232] : memref<112x224xf32, #tpu.memory_space<vmem>>[vector<16xi32>, vector<16xi32>], vector<16xf32>,
        %parallel_loop3A_235 = tpu.vector_load_idx %arg6[%parallel_loop3A_154, %add3A_26] : memref<112x224xf32, #tpu.memory_space<vmem>>[vector<16xi32>, vector<16xi32>], vector<16xf32>,
        %parallel_loop3A_236 = tpu.vector_load_idx %arg6[%parallel_loop3A_154, %parallel_loop3A_232] : memref<112x224xf32, #tpu.memory_space<vmem>>[vector<16xi32>, vector<16xi32>], vector<16xf32>,
        %parallel_loop3A_237 = arith.maximumf %parallel_loop3A_233, %parallel_loop3A_234 : vector<16xf32>
        %parallel_loop3A_238 = arith.maximumf %parallel_loop3A_235, %parallel_loop3A_236 : vector<16xf32>
        %parallel_loop3A_239 = arith.maximumf %parallel_loop3A_237, %parallel_loop3A_238 : vector<16xf32>
        %parallel_loop3A_240 = arith.index_cast %parallel_loop3A_146 : i32 to index
        %parallel_loop3A_241 = arith.constant 48 : index
        %parallel_loop3A_242 = tpu.vector_load %arg8[%parallel_loop3A_240, %parallel_loop3A_241] {strides = array<i32>} : memref<56x112xf32, #tpu.memory_space<vmem>>, vector<16xf32>,
        tpu.vector_store %arg8[%parallel_loop3A_240, %parallel_loop3A_241], %parallel_loop3A_239 {strides = array<i32>} : memref<56x112xf32, #tpu.memory_space<vmem>>, vector<16xf32>,
        %parallel_loop3A_243 = arith.subf %parallel_loop3A_239, %parallel_loop3A_233 : vector<16xf32>
        %parallel_loop3A_244 = arith.subf %parallel_loop3A_239, %parallel_loop3A_234 : vector<16xf32>
        %parallel_loop3A_245 = arith.subf %parallel_loop3A_239, %parallel_loop3A_235 : vector<16xf32>
        %parallel_loop3A_246 = arith.subf %parallel_loop3A_239, %parallel_loop3A_236 : vector<16xf32>
        %parallel_loop3A_247 = arith.mulf %parallel_loop3A_243, %parallel_loop3A_243 : vector<16xf32>
        %parallel_loop3A_248 = arith.mulf %parallel_loop3A_244, %parallel_loop3A_244 : vector<16xf32>
        %parallel_loop3A_249 = arith.addf %parallel_loop3A_247, %parallel_loop3A_248 : vector<16xf32>
        %parallel_loop3A_250 = arith.addf %parallel_loop3A_225, %parallel_loop3A_249 : vector<16xf32>
        %parallel_loop3A_251 = arith.mulf %parallel_loop3A_245, %parallel_loop3A_245 : vector<16xf32>
        %parallel_loop3A_252 = arith.mulf %parallel_loop3A_246, %parallel_loop3A_246 : vector<16xf32>
        %parallel_loop3A_253 = arith.addf %parallel_loop3A_251, %parallel_loop3A_252 : vector<16xf32>
        %parallel_loop3A_254 = arith.addf %parallel_loop3A_229, %parallel_loop3A_253 : vector<16xf32>
        %parallel_loop3A_255 = arith.constant 1 : i32
        %parallel_loop3A_256 = vector.broadcast %parallel_loop3A_255 : i32 to vector<16xi32>
        %parallel_loop3A_257 = arith.addi %add3A_32, %parallel_loop3A_256 : vector<16xi32>
        %parallel_loop3A_258 = tpu.vector_load_idx %arg6[%parallel_loop3A_151, %add3A_32] : memref<112x224xf32, #tpu.memory_space<vmem>>[vector<16xi32>, vector<16xi32>], vector<16xf32>,
        %parallel_loop3A_259 = tpu.vector_load_idx %arg6[%parallel_loop3A_151, %parallel_loop3A_257] : memref<112x224xf32, #tpu.memory_space<vmem>>[vector<16xi32>, vector<16xi32>], vector<16xf32>,
        %parallel_loop3A_260 = tpu.vector_load_idx %arg6[%parallel_loop3A_154, %add3A_32] : memref<112x224xf32, #tpu.memory_space<vmem>>[vector<16xi32>, vector<16xi32>], vector<16xf32>,
        %parallel_loop3A_261 = tpu.vector_load_idx %arg6[%parallel_loop3A_154, %parallel_loop3A_257] : memref<112x224xf32, #tpu.memory_space<vmem>>[vector<16xi32>, vector<16xi32>], vector<16xf32>,
        %parallel_loop3A_262 = arith.maximumf %parallel_loop3A_258, %parallel_loop3A_259 : vector<16xf32>
        %parallel_loop3A_263 = arith.maximumf %parallel_loop3A_260, %parallel_loop3A_261 : vector<16xf32>
        %parallel_loop3A_264 = arith.maximumf %parallel_loop3A_262, %parallel_loop3A_263 : vector<16xf32>
        %parallel_loop3A_265 = arith.index_cast %parallel_loop3A_146 : i32 to index
        %parallel_loop3A_266 = arith.constant 64 : index
        %parallel_loop3A_267 = tpu.vector_load %arg8[%parallel_loop3A_265, %parallel_loop3A_266] {strides = array<i32>} : memref<56x112xf32, #tpu.memory_space<vmem>>, vector<16xf32>,
        tpu.vector_store %arg8[%parallel_loop3A_265, %parallel_loop3A_266], %parallel_loop3A_264 {strides = array<i32>} : memref<56x112xf32, #tpu.memory_space<vmem>>, vector<16xf32>,
        %parallel_loop3A_268 = arith.subf %parallel_loop3A_264, %parallel_loop3A_258 : vector<16xf32>
        %parallel_loop3A_269 = arith.subf %parallel_loop3A_264, %parallel_loop3A_259 : vector<16xf32>
        %parallel_loop3A_270 = arith.subf %parallel_loop3A_264, %parallel_loop3A_260 : vector<16xf32>
        %parallel_loop3A_271 = arith.subf %parallel_loop3A_264, %parallel_loop3A_261 : vector<16xf32>
        %parallel_loop3A_272 = arith.mulf %parallel_loop3A_268, %parallel_loop3A_268 : vector<16xf32>
        %parallel_loop3A_273 = arith.mulf %parallel_loop3A_269, %parallel_loop3A_269 : vector<16xf32>
        %parallel_loop3A_274 = arith.addf %parallel_loop3A_272, %parallel_loop3A_273 : vector<16xf32>
        %parallel_loop3A_275 = arith.addf %parallel_loop3A_250, %parallel_loop3A_274 : vector<16xf32>
        %parallel_loop3A_276 = arith.mulf %parallel_loop3A_270, %parallel_loop3A_270 : vector<16xf32>
        %parallel_loop3A_277 = arith.mulf %parallel_loop3A_271, %parallel_loop3A_271 : vector<16xf32>
        %parallel_loop3A_278 = arith.addf %parallel_loop3A_276, %parallel_loop3A_277 : vector<16xf32>
        %parallel_loop3A_279 = arith.addf %parallel_loop3A_254, %parallel_loop3A_278 : vector<16xf32>
        %parallel_loop3A_280 = arith.constant 1 : i32
        %parallel_loop3A_281 = vector.broadcast %parallel_loop3A_280 : i32 to vector<16xi32>
        %parallel_loop3A_282 = arith.addi %add3A_38, %parallel_loop3A_281 : vector<16xi32>
        %parallel_loop3A_283 = tpu.vector_load_idx %arg6[%parallel_loop3A_151, %add3A_38] : memref<112x224xf32, #tpu.memory_space<vmem>>[vector<16xi32>, vector<16xi32>], vector<16xf32>,
        %parallel_loop3A_284 = tpu.vector_load_idx %arg6[%parallel_loop3A_151, %parallel_loop3A_282] : memref<112x224xf32, #tpu.memory_space<vmem>>[vector<16xi32>, vector<16xi32>], vector<16xf32>,
        %parallel_loop3A_285 = tpu.vector_load_idx %arg6[%parallel_loop3A_154, %add3A_38] : memref<112x224xf32, #tpu.memory_space<vmem>>[vector<16xi32>, vector<16xi32>], vector<16xf32>,
        %parallel_loop3A_286 = tpu.vector_load_idx %arg6[%parallel_loop3A_154, %parallel_loop3A_282] : memref<112x224xf32, #tpu.memory_space<vmem>>[vector<16xi32>, vector<16xi32>], vector<16xf32>,
        %parallel_loop3A_287 = arith.maximumf %parallel_loop3A_283, %parallel_loop3A_284 : vector<16xf32>
        %parallel_loop3A_288 = arith.maximumf %parallel_loop3A_285, %parallel_loop3A_286 : vector<16xf32>
        %parallel_loop3A_289 = arith.maximumf %parallel_loop3A_287, %parallel_loop3A_288 : vector<16xf32>
        %parallel_loop3A_290 = arith.index_cast %parallel_loop3A_146 : i32 to index
        %parallel_loop3A_291 = arith.constant 80 : index
        %parallel_loop3A_292 = tpu.vector_load %arg8[%parallel_loop3A_290, %parallel_loop3A_291] {strides = array<i32>} : memref<56x112xf32, #tpu.memory_space<vmem>>, vector<16xf32>,
        tpu.vector_store %arg8[%parallel_loop3A_290, %parallel_loop3A_291], %parallel_loop3A_289 {strides = array<i32>} : memref<56x112xf32, #tpu.memory_space<vmem>>, vector<16xf32>,
        %parallel_loop3A_293 = arith.subf %parallel_loop3A_289, %parallel_loop3A_283 : vector<16xf32>
        %parallel_loop3A_294 = arith.subf %parallel_loop3A_289, %parallel_loop3A_284 : vector<16xf32>
        %parallel_loop3A_295 = arith.subf %parallel_loop3A_289, %parallel_loop3A_285 : vector<16xf32>
        %parallel_loop3A_296 = arith.subf %parallel_loop3A_289, %parallel_loop3A_286 : vector<16xf32>
        %parallel_loop3A_297 = arith.mulf %parallel_loop3A_293, %parallel_loop3A_293 : vector<16xf32>
        %parallel_loop3A_298 = arith.mulf %parallel_loop3A_294, %parallel_loop3A_294 : vector<16xf32>
        %parallel_loop3A_299 = arith.addf %parallel_loop3A_297, %parallel_loop3A_298 : vector<16xf32>
        %parallel_loop3A_300 = arith.addf %parallel_loop3A_275, %parallel_loop3A_299 : vector<16xf32>
        %parallel_loop3A_301 = arith.mulf %parallel_loop3A_295, %parallel_loop3A_295 : vector<16xf32>
        %parallel_loop3A_302 = arith.mulf %parallel_loop3A_296, %parallel_loop3A_296 : vector<16xf32>
        %parallel_loop3A_303 = arith.addf %parallel_loop3A_301, %parallel_loop3A_302 : vector<16xf32>
        %parallel_loop3A_304 = arith.addf %parallel_loop3A_279, %parallel_loop3A_303 : vector<16xf32>
        %parallel_loop3A_305 = arith.constant 1 : i32
        %parallel_loop3A_306 = vector.broadcast %parallel_loop3A_305 : i32 to vector<16xi32>
        %parallel_loop3A_307 = arith.addi %add3A_44, %parallel_loop3A_306 : vector<16xi32>
        %parallel_loop3A_308 = tpu.vector_load_idx %arg6[%parallel_loop3A_151, %add3A_44] : memref<112x224xf32, #tpu.memory_space<vmem>>[vector<16xi32>, vector<16xi32>], vector<16xf32>,
        %parallel_loop3A_309 = tpu.vector_load_idx %arg6[%parallel_loop3A_151, %parallel_loop3A_307] : memref<112x224xf32, #tpu.memory_space<vmem>>[vector<16xi32>, vector<16xi32>], vector<16xf32>,
        %parallel_loop3A_310 = tpu.vector_load_idx %arg6[%parallel_loop3A_154, %add3A_44] : memref<112x224xf32, #tpu.memory_space<vmem>>[vector<16xi32>, vector<16xi32>], vector<16xf32>,
        %parallel_loop3A_311 = tpu.vector_load_idx %arg6[%parallel_loop3A_154, %parallel_loop3A_307] : memref<112x224xf32, #tpu.memory_space<vmem>>[vector<16xi32>, vector<16xi32>], vector<16xf32>,
        %parallel_loop3A_312 = arith.maximumf %parallel_loop3A_308, %parallel_loop3A_309 : vector<16xf32>
        %parallel_loop3A_313 = arith.maximumf %parallel_loop3A_310, %parallel_loop3A_311 : vector<16xf32>
        %parallel_loop3A_314 = arith.maximumf %parallel_loop3A_312, %parallel_loop3A_313 : vector<16xf32>
        %parallel_loop3A_315 = arith.index_cast %parallel_loop3A_146 : i32 to index
        %parallel_loop3A_316 = arith.constant 96 : index
        %parallel_loop3A_317 = tpu.vector_load %arg8[%parallel_loop3A_315, %parallel_loop3A_316] {strides = array<i32>} : memref<56x112xf32, #tpu.memory_space<vmem>>, vector<16xf32>,
        tpu.vector_store %arg8[%parallel_loop3A_315, %parallel_loop3A_316], %parallel_loop3A_314 {strides = array<i32>} : memref<56x112xf32, #tpu.memory_space<vmem>>, vector<16xf32>,
        %parallel_loop3A_318 = arith.subf %parallel_loop3A_314, %parallel_loop3A_308 : vector<16xf32>
        %parallel_loop3A_319 = arith.subf %parallel_loop3A_314, %parallel_loop3A_309 : vector<16xf32>
        %parallel_loop3A_320 = arith.subf %parallel_loop3A_314, %parallel_loop3A_310 : vector<16xf32>
        %parallel_loop3A_321 = arith.subf %parallel_loop3A_314, %parallel_loop3A_311 : vector<16xf32>
        %parallel_loop3A_322 = arith.mulf %parallel_loop3A_318, %parallel_loop3A_318 : vector<16xf32>
        %parallel_loop3A_323 = arith.mulf %parallel_loop3A_319, %parallel_loop3A_319 : vector<16xf32>
        %parallel_loop3A_324 = arith.addf %parallel_loop3A_322, %parallel_loop3A_323 : vector<16xf32>
        %parallel_loop3A_325 = arith.addf %parallel_loop3A_300, %parallel_loop3A_324 : vector<16xf32>
        %parallel_loop3A_326 = arith.mulf %parallel_loop3A_320, %parallel_loop3A_320 : vector<16xf32>
        %parallel_loop3A_327 = arith.mulf %parallel_loop3A_321, %parallel_loop3A_321 : vector<16xf32>
        %parallel_loop3A_328 = arith.addf %parallel_loop3A_326, %parallel_loop3A_327 : vector<16xf32>
        %parallel_loop3A_329 = arith.addf %parallel_loop3A_304, %parallel_loop3A_328 : vector<16xf32>
        scf.yield %parallel_loop3A_325, %parallel_loop3A_329 : vector<16xf32>, vector<16xf32>
      } {sc.loop_unroll_factor = 1 : i64, sc.parallel_access}
      %dma_start3A_138 = arith.constant 56 : i32
      %dma_start3A_139 = arith.constant 0 : i32
      %dma_start3A_140 = tpu.memref_slice %arg3[%add3A_85, %dma_start3A_138, %dma_start3A_139] : memref<768x112x112xf32, #tpu.memory_space<hbm>> -> memref<1x56x112xf32, #tpu.memory_space<hbm>>
      %dma_start3A_141 = tpu.memref_squeeze %dma_start3A_140 : memref<1x56x112xf32, #tpu.memory_space<hbm>> -> memref<56x112xf32, #tpu.memory_space<hbm>>
      %dma_start3A_142 = arith.constant 56 : i32
      %dma_start3A_143 = arith.constant 0 : i32
      %dma_start3A_144 = tpu.memref_slice %arg3[%add3A_85, %dma_start3A_142, %dma_start3A_143] : memref<768x112x112xf32, #tpu.memory_space<hbm>> -> memref<1x56x112xf32, #tpu.memory_space<hbm>>
      %dma_start3A_145 = tpu.memref_squeeze %dma_start3A_144 : memref<1x56x112xf32, #tpu.memory_space<hbm>> -> memref<56x112xf32, #tpu.memory_space<hbm>>
      tpu.enqueue_dma source(%arg8 : memref<56x112xf32, #tpu.memory_space<vmem>>) target(%dma_start3A_145 : memref<56x112xf32, #tpu.memory_space<hbm>>) target_semaphore(%arg12 : memref<!tpu.dma_semaphore, #tpu.memory_space<semaphore_mem>>)
      scf.yield %parallel_loop3A_137#0, %parallel_loop3A_137#1 : vector<16xf32>, vector<16xf32>
    }
    %scan3A_57 = arith.constant 24 : i32
    %add3A_58 = arith.addf %scan3A_56#0, %scan3A_56#1 : vector<16xf32>
    %add3A_59 = arith.constant 24 : i32
    %add3A_60 = arith.addi %mul3A_2, %add3A_59 : i32
    %sub3A = arith.constant 1 : i32
    %sub3A_61 = arith.subi %add3A_60, %sub3A : i32
    %dma_wait3A = arith.constant 0 : i32
    %dma_wait3A_62 = arith.constant 0 : i32
    %dma_wait3A_63 = tpu.memref_slice %arg3[%sub3A_61, %dma_wait3A, %dma_wait3A_62] : memref<768x112x112xf32, #tpu.memory_space<hbm>> -> memref<1x56x112xf32, #tpu.memory_space<hbm>>
    %dma_wait3A_64 = tpu.memref_squeeze %dma_wait3A_63 : memref<1x56x112xf32, #tpu.memory_space<hbm>> -> memref<56x112xf32, #tpu.memory_space<hbm>>
    %dma_wait3A_65 = arith.constant 0 : i32
    %dma_wait3A_66 = arith.constant 0 : i32
    %dma_wait3A_67 = tpu.memref_slice %arg3[%sub3A_61, %dma_wait3A_65, %dma_wait3A_66] : memref<768x112x112xf32, #tpu.memory_space<hbm>> -> memref<1x56x112xf32, #tpu.memory_space<hbm>>
    %dma_wait3A_68 = tpu.memref_squeeze %dma_wait3A_67 : memref<1x56x112xf32, #tpu.memory_space<hbm>> -> memref<56x112xf32, #tpu.memory_space<hbm>>
    tpu.wait_dma2 semaphore(%arg11 : memref<!tpu.dma_semaphore, #tpu.memory_space<semaphore_mem>>) src(%arg7 : memref<56x112xf32, #tpu.memory_space<vmem>>) dst(%dma_wait3A_68 : memref<56x112xf32, #tpu.memory_space<hbm>>)
    %add3A_69 = arith.constant 24 : i32
    %add3A_70 = arith.addi %mul3A_2, %add3A_69 : i32
    %sub3A_71 = arith.constant 1 : i32
    %sub3A_72 = arith.subi %add3A_70, %sub3A_71 : i32
    %dma_wait3A_73 = arith.constant 56 : i32
    %dma_wait3A_74 = arith.constant 0 : i32
    %dma_wait3A_75 = tpu.memref_slice %arg3[%sub3A_72, %dma_wait3A_73, %dma_wait3A_74] : memref<768x112x112xf32, #tpu.memory_space<hbm>> -> memref<1x56x112xf32, #tpu.memory_space<hbm>>
    %dma_wait3A_76 = tpu.memref_squeeze %dma_wait3A_75 : memref<1x56x112xf32, #tpu.memory_space<hbm>> -> memref<56x112xf32, #tpu.memory_space<hbm>>
    %dma_wait3A_77 = arith.constant 56 : i32
    %dma_wait3A_78 = arith.constant 0 : i32
    %dma_wait3A_79 = tpu.memref_slice %arg3[%sub3A_72, %dma_wait3A_77, %dma_wait3A_78] : memref<768x112x112xf32, #tpu.memory_space<hbm>> -> memref<1x56x112xf32, #tpu.memory_space<hbm>>
    %dma_wait3A_80 = tpu.memref_squeeze %dma_wait3A_79 : memref<1x56x112xf32, #tpu.memory_space<hbm>> -> memref<56x112xf32, #tpu.memory_space<hbm>>
    tpu.wait_dma2 semaphore(%arg12 : memref<!tpu.dma_semaphore, #tpu.memory_space<semaphore_mem>>) src(%arg8 : memref<56x112xf32, #tpu.memory_space<vmem>>) dst(%dma_wait3A_80 : memref<56x112xf32, #tpu.memory_space<hbm>>)
    %swap3A = arith.constant 0 : index
    %swap3A_81 = tpu.vector_load %arg13[%swap3A] {strides = array<i32>} : memref<16xf32, #tpu.memory_space<vmem>>, vector<16xf32>,
    tpu.vector_store %arg13[%swap3A], %add3A_58 {strides = array<i32>} : memref<16xf32, #tpu.memory_space<vmem>>, vector<16xf32>,
    "tpu.region"() ({
      %run_scoped3A = tpu.sem_alloc : memref<!tpu.dma_semaphore, #tpu.memory_space<semaphore_mem>>
      %dma_start3A_82 = arith.constant 0 : i32
      %dma_start3A_83 = tpu.memref_slice %arg4[%add3A, %dma_start3A_82] : memref<32x16xf32, #tpu.memory_space<hbm>> -> memref<1x16xf32, #tpu.memory_space<hbm>>
      %dma_start3A_84 = tpu.memref_squeeze %dma_start3A_83 : memref<1x16xf32, #tpu.memory_space<hbm>> -> memref<16xf32, #tpu.memory_space<hbm>>
      %dma_start3A_85 = arith.constant 0 : i32
      %dma_start3A_86 = tpu.memref_slice %arg4[%add3A, %dma_start3A_85] : memref<32x16xf32, #tpu.memory_space<hbm>> -> memref<1x16xf32, #tpu.memory_space<hbm>>
      %dma_start3A_87 = tpu.memref_squeeze %dma_start3A_86 : memref<1x16xf32, #tpu.memory_space<hbm>> -> memref<16xf32, #tpu.memory_space<hbm>>
      tpu.enqueue_dma source(%arg13 : memref<16xf32, #tpu.memory_space<vmem>>) target(%dma_start3A_87 : memref<16xf32, #tpu.memory_space<hbm>>) target_semaphore(%run_scoped3A : memref<!tpu.dma_semaphore, #tpu.memory_space<semaphore_mem>>)
      %dma_wait3A_88 = arith.constant 0 : i32
      %dma_wait3A_89 = tpu.memref_slice %arg4[%add3A, %dma_wait3A_88] : memref<32x16xf32, #tpu.memory_space<hbm>> -> memref<1x16xf32, #tpu.memory_space<hbm>>
      %dma_wait3A_90 = tpu.memref_squeeze %dma_wait3A_89 : memref<1x16xf32, #tpu.memory_space<hbm>> -> memref<16xf32, #tpu.memory_space<hbm>>
      %dma_wait3A_91 = arith.constant 0 : i32
      %dma_wait3A_92 = tpu.memref_slice %arg4[%add3A, %dma_wait3A_91] : memref<32x16xf32, #tpu.memory_space<hbm>> -> memref<1x16xf32, #tpu.memory_space<hbm>>
      %dma_wait3A_93 = tpu.memref_squeeze %dma_wait3A_92 : memref<1x16xf32, #tpu.memory_space<hbm>> -> memref<16xf32, #tpu.memory_space<hbm>>
      tpu.wait_dma2 semaphore(%run_scoped3A : memref<!tpu.dma_semaphore, #tpu.memory_space<semaphore_mem>>) src(%arg13 : memref<16xf32, #tpu.memory_space<vmem>>) dst(%dma_wait3A_93 : memref<16xf32, #tpu.memory_space<hbm>>)
      tpu.yield
    }) : () -> ()
    return
  }
}

</mosaic_0001>

<sc_bundles>
// kernel: _pool_sc.3.cloned.1.call-start
scs
__scs_entry_jumppad:
0x0: {  	(pc) =	sbr.rel $0x88, $3  }
0x1: {  	(tag) =	ssettag $0x0;
	lr =	simm.s32 $0x1  }
0x2: {  	[smem:$0x3FA0] =	sst lr;
	_ =	strace $0xD0000000  }
0x3: {  	_ = 	snop  }
0x4: {  	_ = 	snop  }
0x5: {  	_ = 	snop  }
0x6: {  	_ = 	snop  }
0x7: {  	_ = 	snop  }
__scs_overlays_trampoline_lowered:
0x8: {  	[smem:$0x3FAF] =	sst s0  }
0x9: {  	[smem:$0x3FB0] =	sst s1  }
0xa: {  	[smem:$0x3FB1] =	sst s2  }
0xb: {  	[smem:$0x3FB2] =	sst s3  }
0xc: {  	[smem:$0x3FB3] =	sst s4  }
0xd: {  	[smem:$0x3FB4] =	sst s5  }
0xe: {  	[smem:$0x3FB5] =	sst s6  }
0xf: {  	[smem:$0x3FB6] =	sst s7  }
0x10: {  	[smem:$0x3FB7] =	sst s8  }
0x11: {  	[smem:$0x3FB8] =	sst s9;
	s0 =	simm.s32 @!p0 $0x0  }
0x12: {  	s1 =	sld [smem:$0x3F9E];
	s0 =	simm.s32 @p0 $0x1  }
0x13: {  	[smem:$0x3FB9] =	sst s0;
	s0 =	simm.s32 @!p1 $0x0  }
0x14: {  	s2 =	sld [smem:$0x3F9D];
	s0 =	simm.s32 @p1 $0x1  }
0x15: {  	[smem:$0x3FBA] =	sst s0;
	s0 =	simm.s32 @!p2 $0x0  }
0x16: {  	s3 =	sld [smem:$0x3FDB];
	s0 =	simm.s32 @p2 $0x1  }
0x17: {  	s4 =	simm.s32 $0x1BF5;
	[smem:$0x3FBC] =	sst s0  }
0x18: {  	s0 =	sld [smem:$0x3F9F];
	_ =	swait.ge [sflag:s4], $0x0  }
0x19: {  	s7 =	sld [smem:$0x3FA0]  }
0x1a: {  	s8 =	sadd.s32 $0xFFFFE003, lr  }
0x1b: {  	s9 =	sadd.s32 $0xFFFFFEF7, lr;
	s5 =	simm.s32 $0xFFFFFFFF;
	p2 =	slt.u32 s8, $0xFFFFF086  }
0x1c: {  	p1 =	slt.u32 s9, $0xF7A;
	s5 =	simm.s32 @!p2 $0x0  }
0x1d: {  	s5 =	simm.s32 @p1 $0x1;
	p0 =	seq.s32 s7, s2  }
0x1e: {  	s7 =	smul.u32 @!p0 $0xF7A, s2;
	p2 =	seq.s32 @!p0 s5, $0x0  }
0x1f: {  	s9 =	smul.u32 $0xF7A, s1;
	s8 =	simm.s32 @!p0 $0x1BF5;
	p2 =	por !p2, p0  }
0x20: {  	[sflag:s8] =	ssyncset.s32 @!p0 $0xFFFFF086;
	s6 =	sadd.s32 @!p0 s3, s7;
	s7 =	simm.s32 @!p0 $0x108  }
0x21: {  	s3 =	sadd.s32 s3, s9;
	s6 =	sadd.s32 @!p0 $0x88, s6;
	s7 =	simm.s32 @p2 $0x1082  }
0x22: {  	[simem:s7], [sflag:s8] =	dma.local @!p0 [hbm:s6], $0xF7A  }
0x23: {  	s9 =	sor.u32 $0xD0000000, s2;
	s6 =	simm.s32 $0x108;
	_ =	swait.ge @!p0 [sflag:s8], $0x0  }
0x24: {  	s3 =	sadd.s32 $0x88, s3;
	s6 =	simm.s32 @!p1 $0x1082;
	[sflag:s4] =	ssyncset.s32 $0xFFFFF086  }
0x25: {  	[simem:s6], [sflag:s4] =	dma.local [hbm:s3], $0xF7A  }
0x26: {  	[smem:$0x3FA0] =	sst s1;
	(tag) =	ssettag s2;
	_ =	strace s9  }
0x27: {  	s1 =	sld [smem:$0x3FB0]  }
0x28: {  	s2 =	sld [smem:$0x3FB1]  }
0x29: {  	s4 =	sld [smem:$0x3FB3]  }
0x2a: {  	p0 =	seq.s32 s5, $0x0;
	s5 =	sld [smem:$0x3FB4]  }
0x2b: {  	s6 =	sld [smem:$0x3FB5]  }
0x2c: {  	s7 =	sld [smem:$0x3FB6]  }
0x2d: {  	s3 =	simm.s32 $0x108;
	s8 =	sld [smem:$0x3FB7]  }
0x2e: {  	s3 =	simm.s32 @!p0 $0x1082;
	s9 =	sld [smem:$0x3FB8]  }
0x2f: {  	lr =	sadd.s32 s0, s3;
	s0 =	sld [smem:$0x3FAF]  }
0x30: {  	s3 =	sld [smem:$0x3FB2]  }
0x31: {  	[smem:$0x3FBB] =	sst s10  }
0x32: {  	s10 =	sld [smem:$0x3FB9];
	_ =	sdelay $0x3  }
0x33: {  	p0 =	seq.s32 s10, $0x1;
	s10 =	sld [smem:$0x3FBB];
	_ =	sdelay $0x3  }
0x34: {  	[smem:$0x3FBB] =	sst s10  }
0x35: {  	s10 =	sld [smem:$0x3FBA];
	_ =	sdelay $0x3  }
0x36: {  	p1 =	seq.s32 s10, $0x1;
	s10 =	sld [smem:$0x3FBB];
	_ =	sdelay $0x3  }
0x37: {  	[smem:$0x3FBB] =	sst s10  }
0x38: {  	s10 =	sld [smem:$0x3FBC]  }
0x39: {  	_ = 	snop;
	(pc) =	sbr.ind lr, $3  }
0x3a: {  	_ = 	snop  }
0x3b: {  	_ = 	snop  }
0x3c: {  	p2 =	seq.s32 s10, $0x1;
	s10 =	sld [smem:$0x3FBB]  }
0x3d: {  	_ =	shalt  }
0x3e: {  	_ =	shalt  }
0x3f: {  	_ =	shalt  }
0x40: {  	_ =	shalt  }
0x41: {  	_ =	shalt  }
0x42: {  	_ =	shalt  }
0x43: {  	_ =	shalt  }
0x44: {  	_ =	shalt  }
0x45: {  	_ =	shalt  }
0x46: {  	_ =	shalt  }
0x47: {  	_ =	shalt  }
0x48: {  	_ =	shalt  }
0x49: {  	_ =	shalt  }
0x4a: {  	_ =	shalt  }
0x4b: {  	_ =	shalt  }
0x4c: {  	_ =	shalt  }
0x4d: {  	_ =	shalt  }
0x4e: {  	_ =	shalt  }
0x4f: {  	_ =	shalt  }
0x50: {  	_ =	shalt  }
0x51: {  	_ =	shalt  }
0x52: {  	_ =	shalt  }
0x53: {  	_ =	shalt  }
0x54: {  	_ =	shalt  }
0x55: {  	_ =	shalt  }
0x56: {  	_ =	shalt  }
0x57: {  	_ =	shalt  }
0x58: {  	_ =	shalt  }
0x59: {  	_ =	shalt  }
0x5a: {  	_ =	shalt  }
0x5b: {  	_ =	shalt  }
0x5c: {  	_ =	shalt  }
0x5d: {  	_ =	shalt  }
0x5e: {  	_ =	shalt  }
0x5f: {  	_ =	shalt  }
0x60: {  	_ =	shalt  }
0x61: {  	_ =	shalt  }
0x62: {  	_ =	shalt  }
0x63: {  	_ =	shalt  }
0x64: {  	_ =	shalt  }
0x65: {  	_ =	shalt  }
0x66: {  	_ =	shalt  }
0x67: {  	_ =	shalt  }
0x68: {  	_ =	shalt  }
0x69: {  	_ =	shalt  }
0x6a: {  	_ =	shalt  }
0x6b: {  	_ =	shalt  }
0x6c: {  	_ =	shalt  }
0x6d: {  	_ =	shalt  }
0x6e: {  	_ =	shalt  }
0x6f: {  	_ =	shalt  }
0x70: {  	_ =	shalt  }
0x71: {  	_ =	shalt  }
0x72: {  	_ =	shalt  }
0x73: {  	_ =	shalt  }
0x74: {  	_ =	shalt  }
0x75: {  	_ =	shalt  }
0x76: {  	_ =	shalt  }
0x77: {  	_ =	shalt  }
0x78: {  	_ =	shalt  }
0x79: {  	_ =	shalt  }
0x7a: {  	_ =	shalt  }
0x7b: {  	_ =	shalt  }
0x7c: {  	_ =	shalt  }
0x7d: {  	_ =	shalt  }
0x7e: {  	_ =	shalt  }
0x7f: {  	_ =	shalt  }
0x80: {  	_ =	shalt  }
0x81: {  	_ =	shalt  }
0x82: {  	_ =	shalt  }
0x83: {  	_ =	shalt  }
0x84: {  	_ =	shalt  }
0x85: {  	_ =	shalt  }
0x86: {  	_ =	shalt  }
0x87: {  	_ =	shalt  }
.Lfunc_end0:
.L_simem_size_0:
called_computation_lowered:
.L_overlay_start_0:
0x88: {  	s2 =	sld [smem:$0x3FD9]  }
0x89: {  	s3 =	sld [smem:$0x3FFE];
	_ =	sdelay $0x1  }
0x8a: {  	s1 =	srdreg.scid  }
0x8b: {  	s0 =	sand.u32 $0x1, s1  }
0x8c: {  	s16 =	sshll.u32 s0, $0xA;
	s2 =	sadd.s32 s3, s2  }
0x8d: {  	s2 =	sadd.s32 s2, s16  }
0x8e: {  	[smem:$0x3FC7] =	sst s2  }
0x8f: {  	_ = 	snop  }
0x90: {  	(tm) =	ssettm $0x1  }
0x91: {  	s17 =	sld [smem:$0x3FFB];
	_ =	sdelay $0x3  }
0x92: {  	_ =	strace s17  }
0x93: {  	s2 =	sld [smem:$0x3FFC];
	_ =	sdelay $0x3  }
0x94: {  	_ =	strace s2  }
0x95: {  	s2 =	sld [smem:$0x3FFD];
	_ =	sdelay $0x3  }
0x96: {  	_ =	strace s2  }
0x97: {  	_ =	strace $0x8FFFFFFF  }
0x98: {  	s18 =	sld [smem:$0x3FDB];
	_ =	sdelay $0x1  }
0x99: {  	s19 =	simm.s32 $_scs_section_size  }
0x9a: {  	s4 =	simm.s32 $_size__tile_overlayer_lowered;
	s5 =	simm.s32 $_tile_overlayer_lowered  }
0x9b: {  	s22 =	simm.s32 $0x1BFF;
	s21 =	sshll.u32 s5, $0x1;
	s2 =	sadd.s32 s19, s18  }
0x9c: {  	s6 =	simm.s32 $0x0;
	s20 =	sshll.u32 s4, $0x1;
	s4 =	sadd.s32 s21, s2  }
0x9d: {  	[timem:s6], [sflag:s22] =	dma.local [hbm:s4], s20  }
0x9e: {  	_ =	swait.ge [sflag:s22], s20  }
0x9f: {  	s3 =	ssub.s32 $0x0, s20;
	[sflag:s22] =	ssyncset.done $0x0  }
0xa0: {  	[sflag:s22] =	ssyncadd.s32 s3;
	_ =	sdelay $0x1  }
0xa1: {  	s23 =	simm.s32 $0x1B8B  }
0xa2: {  	_ =	swait.ge [sflag:s23], $0x1  }
0xa3: {  	[sflag:s23] =	ssyncset.done $0x0  }
0xa4: {  	s25 =	simm.s32 $0x1B8E;
	s24 =	sld [smem:$0x3FFE];
	[sflag:s23] =	ssyncadd.s32 $0xFFFFFFFF  }
0xa5: {  	s26 =	simm.s32 $execute0_lowered;
	[smem:$0x3FD2] =	sst s25  }
0xa6: {  	s4 =	sshll.u32 s26, $0x1;
	_ =	strace $0x80000046;
	[dreg:$0x1] =	wrdreg $0xFFFFFFFF  }
0xa7: {  	s28 =	simm.s32 $_size_execute0_lowered;
	s2 =	sadd.s32 s2, s4;
	[dreg:$0x0] =	wrdreg $0x0  }
0xa8: {  	s4 =	sshll.u32 s28, $0x1;
	[dreg:$0x2] =	wrdreg s2  }
0xa9: {  	[dreg:$0x3] =	wrdreg s4  }
0xaa: {  	[dreg:$0x4] =	wrdreg $0xC0  }
0xab: {  	_ =	task [dreg:s6], $0x5FFFF  }
0xac: {  	[dreg:$0x1] =	wrdreg $0xFFFFFFFF  }
0xad: {  	[dreg:$0x0] =	wrdreg $0x60  }
0xae: {  	[dreg:$0x2] =	wrdreg s24  }
0xaf: {  	[dreg:$0x3] =	wrdreg $0x9  }
0xb0: {  	_ =	task.clear_ibuf [dreg:s6], $0x4FFFF;
	_ =	strace $0x90000046  }
0xb1: {  	s29 =	simm.s32 $0x9;
	_ =	strace $0x80000048  }
0xb2: {  	_ =	swait.ge [sflag:s29], $0x1  }
0xb3: {  	[sflag:s29] =	ssyncadd.s32 $0xFFFFFFFF  }
0xb4: {  	_ =	strace $0x90000048  }
0xb5: {  	_ =	sfence  }
0xb6: {  	s30 =	sld [smem:$0x0];
	_ =	sdelay $0x2  }
0xb7: {  	s31 =	sshll.u32 s1, $0xD;
	s1 =	sshrl.u32 s1, $0x2  }
0xb8: {  	s3 =	sand.u32 $0x4000, s31;
	s1 =	sadd.s32 s1, s30  }
0xb9: {  	s0 =	sor.u32 s3, s0;
	s1 =	sshll.u32 s1, $0x11  }
0xba: {  	s0 =	sor.u32 s1, s0  }
0xbb: {  	s0 =	sadd.s32 $0x8F2B, s0  }
0xbc: {  	[sflag:s0] =	ssyncadd.remote.s32 $0x1  }
0xbd: {  	_ =	sfence.sel $0xFFFF  }
0xbe: {  	[dreg:$0x0] =	wrdreg $0xFFFFFFFF;
	(pc) =	sbr.abs _section_cstart, $3  }
0xbf: {  	[dreg:$0x1] =	wrdreg $0xFFFFFFFF  }
0xc0: {  	_ =	task.clear_ibuf [dreg:s6], $0x2FFFF;
	_ =	strace $0x9FFFFFFF  }
0xc1: {  	(tm) =	ssettm $0x7FFFFFFF  }
tec
execute0_lowered:
.L_overlay_start_1:
0x0: {  	(tag) =	ssettag $0x1  }
0x1: {  	s5 =	rddreg [dreg:$0x0]  }
0x2: {  	s0 =	rddreg [dreg:$0x1]  }
0x3: {  	s2 =	simm.s32 $0x0;
	s3 =	srdreg.scid;
	s1 =	stileid.u32  }
0x4: {  	s10 =	simm.s32 $0x1;
	s11 =	simm.s32 $0xE000;
	s12 =	simm.s32 $0x2  }
0x5: {  	s13 =	simm.s32 $0x4;
	s14 =	simm.s32 $0xFC00;
	s15 =	simm.s32 $0x3  }
0x6: {  	s16 =	simm.s32 $0x11800;
	s17 =	simm.s32 $0x5;
	s18 =	simm.s32 $0x0  }
0x7: {  	v0 =	vlaneseq.u32;
	[smem:$0x7FF] =	sst s2;
	s4 =	sand.u32 $0x1, s3;
	s6 =	sshll.u32 s1, $0x1  }
0x8: {  	s3 =	sadd.s32 $0x800, s5;
	v0 =	vmul.u32 $0x2, v0;
	_ =	strace $0x80000047;
	s6 =	sor.u32 s4, s6  }
0x9: {  	s8 =	ssub.s32 $0x2, s4;
	s7 =	sshll.u32 s6, $0x4;
	s9 =	smul.u32 $0x2A000, s6  }
0xa: {  	s4 =	sadd.s32 $0x540800, s5;
	s31 =	sshrl.u32 s8, $0x1;
	v1 =	vor.u32 $0x1, v0;
	s7 =	sadd.s32 s7, s5  }
0xb: {  	v2 =	vor.u32 $0x20, v0;
	v3 =	vor.u32 $0x21, v0;
	v4 =	vor.u32 $0x40, v0;
	s8 =	ssub.s32 s8, s31;
	s5 =	smul.u32 $0x18, s6;
	s6 =	sadd.s32 s3, s9  }
0xc: {  	v5 =	vor.u32 $0x41, v0;
	v6 =	vor.u32 $0x60, v0;
	v7 =	vor.u32 $0x61, v0;
	s7 =	sadd.s32 $0x690800, s7;
	s8 =	smax.u32 s8, $0x1;
	s9 =	simm.s32 $0x7000  }
.LBB2_1:
0xd: {  	[tilespmem:s2], [sflag:$0x1] =	stream.linear.gather [hbm4b:s6+s2], $0x7000, $0x38;
	[tilespmem:$0x11880] =	vst v63  }
0xe: {  	v19 =	vimm.f32 $0.0e+00;
	v17 =	vimm.f32 $0.0e+00;
	s19 =	simm.s32 $0x0  }
.LBB2_2:
0xf: {  	s20 =	sadd.s32 s5, s19  }
0x10: {  	s21 =	smul.u32 $0xE000, s20;
	_ =	sdelay $0x1  }
0x11: {  	s22 =	simm.s32 $0x0;
	s21 =	sshrl.u32 s21, $0x3  }
0x12: {  	v8 =	vmov s22;
	s21 =	sadd.s32 s3, s21  }
0x13: {  	v9 =	vshll.u32 v8, $0x8;
	v8 =	vshll.u32 v8, $0x7;
	s31 =	sadd.s32 $0xE00, s21  }
0x14: {  	v9 =	vand.u32 $0x7800, v9;
	v11 =	vand.u32 $0x300, v8;
	[tilespmem:s9], [sflag:$0x2] =	stream.linear.gather [hbm4b:s31+s2], $0x7000, $0x38;
	[tilespmem:$0x11880] =	vst v63  }
0x15: {  	v12 =	vor.u32 v11, v9;
	v13 =	vor.u32 $0x80, v11;
	_ =	swait.ge [sflag:s10], $0x7000  }
0x16: {  	p0 =	seq.s32 s19, $0x0;
	v8 =	vor.u32 v0, v12;
	v15 =	vor.u32 v9, v13;
	[sflag:s10] =	ssyncset.done $0x0  }
0x17: {  	s22 =	simm.s32 @!p0 $0x3;
	v10 =	vor.u32 v0, v15;
	[sflag:s10] =	ssyncadd.s32 $0xFFFF9000  }
0x18: {  	v14 =	vor.u32 v1, v15;
	_ =	swait.ge @!p0 [sflag:s22], $0x1C00  }
0x19: {  	v16 =	vor.u32 v1, v12;
	[sflag:s22] =	ssyncset.done @!p0 $0x0  }
0x1a: {  	[sflag:s22] =	ssyncadd.s32 @!p0 $0xFFFFE400  }
0x1b: {  	v20 =	vld.idx.msk [tilespmem:v8+s2+$0x0], $0xffff  }
0x1c: {  	v21 =	vld.idx.msk [tilespmem:v10+s2+$0x0], $0xffff  }
0x1d: {  	v23 =	vld.idx.msk [tilespmem:v14+s2+$0x0], $0xffff  }
0x1e: {  	v16 =	vld.idx.msk [tilespmem:v16+s2+$0x0], $0xffff;
	_ =	sdelay $0x2  }
0x1f: {  	v8 =	vor.u32 v3, v15  }
0x20: {  	v10 =	vor.u32 v2, v15  }
0x21: {  	v14 =	vor.u32 v2, v12;
	v18 =	vmax.f32 v21, v23;
	v22 =	vmax.f32 v20, v16  }
0x22: {  	v24 =	vor.u32 v3, v12;
	s22 =	simm.s32 $0xE030;
	v25 =	vmax.f32 v22, v18  }
0x23: {  	[tilespmem:s22+$0xFFFFFFD0] =	vst v25  }
0x24: {  	v28 =	vld.idx.msk [tilespmem:v8+s2+$0x0], $0xffff  }
0x25: {  	v30 =	vld.idx.msk [tilespmem:v10+s2+$0x0], $0xffff  }
0x26: {  	v31 =	vld.idx.msk [tilespmem:v14+s2+$0x0], $0xffff  }
0x27: {  	v24 =	vld.idx.msk [tilespmem:v24+s2+$0x0], $0xffff;
	_ =	sdelay $0x2  }
0x28: {  	v8 =	vor.u32 v5, v15  }
0x29: {  	v10 =	vor.u32 v5, v12  }
0x2a: {  	v22 =	vor.u32 v4, v12;
	v14 =	vmax.f32 v30, v28;
	v18 =	vmax.f32 v31, v24  }
0x2b: {  	s23 =	simm.s32 $0x2;
	v26 =	vor.u32 v4, v15;
	v32 =	vmax.f32 v18, v14  }
0x2c: {  	v18 =	vmov s23;
	[tilespmem:s22+$0xFFFFFFE0] =	vst v32  }
0x2d: {  	v14 =	vld.idx.msk [tilespmem:v8+s2+$0x0], $0xffff;
	v8 =	vshll.u32 v18, $0x8;
	v18 =	vshll.u32 v18, $0x7  }
0x2e: {  	v36 =	vld.idx.msk [tilespmem:v10+s2+$0x0], $0xffff;
	v34 =	vand.u32 $0x7800, v8;
	v18 =	vand.u32 $0x300, v18  }
0x2f: {  	v37 =	vld.idx.msk [tilespmem:v22+s2+$0x0], $0xffff;
	v10 =	vor.u32 v18, v34;
	v40 =	vor.u32 $0x80, v18  }
0x30: {  	v35 =	vor.u32 $0x400, v9;
	v22 =	vld.idx.msk [tilespmem:v26+s2+$0x0], $0xffff;
	v27 =	vor.u32 v0, v10;
	v8 =	vor.u32 v34, v40  }
0x31: {  	v9 =	vor.u32 v13, v35;
	v29 =	vor.u32 v0, v8  }
0x32: {  	v39 =	vor.u32 v6, v12;
	v13 =	vsub.f32 v25, v20;
	v20 =	vor.u32 v1, v8  }
0x33: {  	v38 =	vor.u32 v7, v15;
	v16 =	vsub.f32 v25, v16;
	v21 =	vsub.f32 v25, v21  }
0x34: {  	v23 =	vsub.f32 v25, v23;
	v15 =	vor.u32 v6, v15;
	v13 =	vmul.f32 v13, v13  }
0x35: {  	v25 =	vor.u32 v1, v10;
	v33 =	vmax.f32 v37, v36;
	v41 =	vmax.f32 v22, v14;
	v26 =	vld.idx.msk [tilespmem:v27+s2+$0x0], $0xffff  }
0x36: {  	v16 =	vmul.f32 v16, v16;
	v21 =	vmul.f32 v21, v21;
	v33 =	vmax.f32 v33, v41;
	v27 =	vld.idx.msk [tilespmem:v29+s2+$0x0], $0xffff  }
0x37: {  	v23 =	vmul.f32 v23, v23;
	[tilespmem:s22+$0xFFFFFFF0] =	vst v33;
	v29 =	vld.idx.msk [tilespmem:v20+s2+$0x0], $0xffff;
	v20 =	vor.u32 v7, v12  }
0x38: {  	v48 =	vor.u32 v1, v9;
	v43 =	vadd.f32 v16, v13;
	v13 =	vsub.f32 v32, v24;
	v45 =	vld.idx.msk [tilespmem:v38+s2+$0x0], $0xffff  }
0x39: {  	v21 =	vadd.f32 v23, v21;
	v31 =	vsub.f32 v32, v31;
	v24 =	vor.u32 v0, v9;
	v46 =	vld.idx.msk [tilespmem:v39+s2+$0x0], $0xffff  }
0x3a: {  	v44 =	vmul.f32 v13, v13;
	v13 =	vsub.f32 v32, v28;
	v12 =	vor.u32 v11, v35;
	v35 =	vld.idx.msk [tilespmem:v25+s2+$0x0], $0xffff  }
0x3b: {  	v31 =	vmul.f32 v31, v31;
	v16 =	vor.u32 v4, v10;
	v51 =	vor.u32 v2, v10;
	v47 =	vld.idx.msk [tilespmem:v15+s2+$0x0], $0xffff  }
0x3c: {  	v23 =	vor.u32 v5, v8;
	v50 =	vor.u32 v2, v8;
	v60 =	vsub.f32 v33, v36;
	v49 =	vld.idx.msk [tilespmem:v20+s2+$0x0], $0xffff  }
0x3d: {  	v15 =	vor.u32 v4, v8;
	v39 =	vor.u32 v3, v10;
	v11 =	vsub.f32 v32, v30  }
0x3e: {  	v30 =	vsub.f32 v33, v37;
	v42 =	vmul.f32 v60, v60;
	v37 =	vadd.f32 v44, v31  }
0x3f: {  	v20 =	vor.u32 v3, v8;
	v61 =	vmax.f32 v27, v29;
	v62 =	vmax.f32 v26, v35  }
0x40: {  	s24 =	simm.s32 $0xE0B0;
	v32 =	vor.u32 $0x400, v34;
	v31 =	vadd.f32 v43, v17;
	v41 =	vmax.f32 v62, v61  }
0x41: {  	v28 =	vor.u32 v0, v12;
	v63 =	vmax.f32 v47, v45;
	[tilespmem:s24+$0xFFFFFFD0] =	vst v41;
	v52 =	vmax.f32 v46, v49  }
0x42: {  	v25 =	vor.u32 v1, v12;
	v17 =	vor.u32 v40, v32;
	v36 =	vld.idx.msk [tilespmem:v50+s2+$0x0], $0xffff;
	v52 =	vmax.f32 v52, v63  }
0x43: {  	v11 =	vmul.f32 v11, v11;
	v38 =	vmul.f32 v30, v30;
	v34 =	vld.idx.msk [tilespmem:v51+s2+$0x0], $0xffff;
	v46 =	vsub.f32 v52, v46  }
0x44: {  	v30 =	vld.idx.msk [tilespmem:v20+s2+$0x0], $0xffff;
	v20 =	vadd.f32 v21, v19;
	[tilespmem:s22+$0x0] =	vst v52;
	v21 =	vsub.f32 v52, v49  }
0x45: {  	s25 =	simm.s32 $0x4;
	s23 =	simm.s32 $0xE0B0;
	v44 =	vsub.f32 v52, v47;
	v43 =	vsub.f32 v52, v45;
	v40 =	vld.idx.msk [tilespmem:v48+s2+$0x0], $0xffff;
	v19 =	vmul.f32 v46, v46  }
.LBB2_3:
0x46: {  	p1 =	sne.s32 s25, $0x6E;
	v18 =	vor.u32 v18, v32;
	v31 =	vadd.f32 v37, v31;
	v32 =	vadd.f32 v42, v38;
	v28 =	vld.idx.msk [tilespmem:v28+s2+$0x0], $0xffff;
	s26 =	smov.u32 s25;
	s25 =	sadd.s32 $0x2, s25  }
0x47: {  	v22 =	vsub.f32 v33, v22;
	v37 =	vld.idx.msk [tilespmem:v39+s2+$0x0], $0xffff;
	v39 =	vmul.f32 v44, v44;
	v42 =	vmul.f32 v43, v43  }
0x48: {  	v14 =	vsub.f32 v33, v14;
	v38 =	vadd.f32 v32, v31;
	v25 =	vld.idx.msk [tilespmem:v25+s2+$0x0], $0xffff;
	v32 =	vor.u32 v2, v12  }
0x49: {  	v26 =	vsub.f32 v41, v26;
	v22 =	vmul.f32 v22, v22;
	v39 =	vadd.f32 v42, v39;
	v24 =	vld.idx.msk [tilespmem:v24+s2+$0x0], $0xffff  }
0x4a: {  	v27 =	vsub.f32 v41, v27;
	v31 =	vsub.f32 v41, v35;
	v14 =	vmul.f32 v14, v14  }
0x4b: {  	v29 =	vsub.f32 v41, v29;
	v33 =	vor.u32 v3, v9;
	v26 =	vmul.f32 v26, v26  }
0x4c: {  	v35 =	vmax.f32 v36, v30;
	v31 =	vmul.f32 v31, v31;
	v41 =	vadd.f32 v14, v22  }
0x4d: {  	v14 =	vmul.f32 v27, v27;
	v22 =	vmul.f32 v29, v29;
	v27 =	vmax.f32 v34, v37  }
0x4e: {  	v31 =	vadd.f32 v31, v26;
	v26 =	vmax.f32 v27, v35;
	v27 =	vor.u32 v2, v9  }
0x4f: {  	v29 =	vmax.f32 v28, v25;
	v35 =	vsub.f32 v26, v34;
	v42 =	vmax.f32 v24, v40;
	[tilespmem:s24+$0xFFFFFFE0] =	vst v26  }
0x50: {  	v34 =	vadd.f32 v22, v14;
	v22 =	vsub.f32 v26, v37;
	v14 =	vld.idx.msk [tilespmem:v23+s2+$0x0], $0xffff;
	v23 =	vmax.f32 v29, v42  }
0x51: {  	v29 =	vor.u32 v3, v12;
	[tilespmem:s22+$0x10] =	vst v23;
	v28 =	vsub.f32 v23, v28;
	v25 =	vsub.f32 v23, v25  }
0x52: {  	v37 =	vmul.f32 v22, v22;
	v22 =	vsub.f32 v23, v24;
	v23 =	vsub.f32 v23, v40;
	v42 =	vld.idx.msk [tilespmem:v32+s2+$0x0], $0xffff  }
0x53: {  	v24 =	vsub.f32 v26, v36;
	v28 =	vmul.f32 v28, v28;
	v25 =	vmul.f32 v25, v25;
	v27 =	vld.idx.msk [tilespmem:v27+s2+$0x0], $0xffff  }
0x54: {  	v26 =	vsub.f32 v26, v30;
	v22 =	vmul.f32 v22, v22;
	v23 =	vmul.f32 v23, v23;
	v30 =	vld.idx.msk [tilespmem:v33+s2+$0x0], $0xffff  }
0x55: {  	v32 =	vmul.f32 v24, v24;
	v36 =	vadd.f32 v25, v28  }
0x56: {  	v44 =	vor.u32 v4, v9;
	v33 =	vor.u32 v4, v12;
	v43 =	vadd.f32 v23, v22  }
0x57: {  	v45 =	vor.u32 v5, v12;
	v46 =	vor.u32 v5, v9;
	v23 =	vmul.f32 v13, v13;
	v29 =	vld.idx.msk [tilespmem:v29+s2+$0x0], $0xffff  }
0x58: {  	v12 =	vmovc v18;
	v22 =	vor.u32 v5, v10;
	v28 =	vor.u32 v0, v18;
	v25 =	vor.u32 v1, v18  }
0x59: {  	v40 =	vor.u32 v1, v17;
	v24 =	vor.u32 v0, v17;
	v13 =	vmovc v26;
	v47 =	vadd.f32 v23, v11  }
0x5a: {  	v48 =	vor.u32 v6, v10;
	v49 =	vor.u32 v6, v8;
	v9 =	vmovc v17;
	v18 =	vmov s26;
	v11 =	vmovc v32  }
0x5b: {  	v50 =	vor.u32 v7, v8;
	v17 =	vshll.u32 v18, $0x8;
	v18 =	vshll.u32 v18, $0x7  }
0x5c: {  	v17 =	vand.u32 $0x7800, v17;
	v18 =	vand.u32 $0x300, v18;
	v23 =	vmax.f32 v27, v30  }
0x5d: {  	v51 =	vor.u32 v18, v17;
	v52 =	vor.u32 $0x80, v18;
	v53 =	vld.idx.msk [tilespmem:v22+s2+$0x0], $0xffff;
	v22 =	vmax.f32 v42, v29  }
0x5e: {  	v26 =	vor.u32 v0, v51;
	v8 =	vor.u32 v17, v52;
	v54 =	vld.idx.msk [tilespmem:v16+s2+$0x0], $0xffff;
	v55 =	vmax.f32 v22, v23  }
0x5f: {  	v32 =	vor.u32 $0x400, v17;
	v56 =	vor.u32 v0, v8;
	v57 =	vor.u32 v1, v8;
	v22 =	vld.idx.msk [tilespmem:v15+s2+$0x0], $0xffff;
	[tilespmem:s22+$0x20] =	vst v55  }
0x60: {  	v17 =	vor.u32 v1, v51;
	v16 =	vor.u32 v4, v51;
	v23 =	vor.u32 v5, v8;
	v45 =	vld.idx.msk [tilespmem:v45+s2+$0x0], $0xffff  }
0x61: {  	v15 =	vor.u32 v4, v8;
	v42 =	vsub.f32 v55, v42;
	v29 =	vsub.f32 v55, v29;
	v46 =	vld.idx.msk [tilespmem:v46+s2+$0x0], $0xffff  }
0x62: {  	v21 =	vmul.f32 v21, v21;
	v27 =	vsub.f32 v55, v27;
	v30 =	vsub.f32 v55, v30;
	v44 =	vld.idx.msk [tilespmem:v44+s2+$0x0], $0xffff  }
0x63: {  	v20 =	vadd.f32 v47, v20;
	v42 =	vmul.f32 v42, v42;
	v29 =	vmul.f32 v29, v29;
	v47 =	vld.idx.msk [tilespmem:v33+s2+$0x0], $0xffff  }
0x64: {  	v55 =	vmul.f32 v27, v27;
	v30 =	vmul.f32 v30, v30;
	v33 =	vmax.f32 v54, v53;
	v26 =	vld.idx.msk [tilespmem:v26+s2+$0x0], $0xffff  }
0x65: {  	v19 =	vadd.f32 v21, v19;
	v21 =	vadd.f32 v29, v42;
	v27 =	vld.idx.msk [tilespmem:v56+s2+$0x0], $0xffff;
	v56 =	vmax.f32 v22, v14  }
0x66: {  	v20 =	vadd.f32 v41, v20;
	v30 =	vadd.f32 v30, v55;
	v29 =	vld.idx.msk [tilespmem:v57+s2+$0x0], $0xffff;
	v33 =	vmax.f32 v33, v56  }
0x67: {  	v19 =	vadd.f32 v19, v38;
	v10 =	vor.u32 v7, v10;
	[tilespmem:s24+$0xFFFFFFF0] =	vst v33;
	v41 =	vsub.f32 v33, v54  }
0x68: {  	v20 =	vadd.f32 v39, v20;
	v54 =	vmul.f32 v35, v35;
	v42 =	vsub.f32 v33, v53;
	v50 =	vld.idx.msk [tilespmem:v50+s2+$0x0], $0xffff  }
0x69: {  	v35 =	vld.idx.msk [tilespmem:v17+s2+$0x0], $0xffff;
	v17 =	vadd.f32 v36, v19;
	v19 =	vmax.f32 v47, v45;
	v36 =	vmax.f32 v44, v46  }
0x6a: {  	v20 =	vadd.f32 v43, v20;
	v53 =	vor.u32 v3, v8;
	v48 =	vld.idx.msk [tilespmem:v48+s2+$0x0], $0xffff;
	v19 =	vmax.f32 v19, v36  }
0x6b: {  	v43 =	vor.u32 v2, v51;
	s24 =	sadd.s32 $0x80, s24;
	v49 =	vld.idx.msk [tilespmem:v49+s2+$0x0], $0xffff;
	v36 =	vsub.f32 v19, v47;
	v38 =	vsub.f32 v19, v45  }
0x6c: {  	v44 =	vsub.f32 v19, v44;
	v45 =	vld.idx.msk [tilespmem:v10+s2+$0x0], $0xffff;
	[tilespmem:s22+$0x30] =	vst v19;
	v19 =	vsub.f32 v19, v46;
	v10 =	vmov v51;
	s22 =	smov.u32 s23;
	s23 =	smov.u32 s24  }
0x6d: {  	v47 =	vor.u32 v2, v8;
	v46 =	vmax.f32 v27, v29;
	v36 =	vmul.f32 v36, v36  }
0x6e: {  	v39 =	vor.u32 v3, v10;
	v51 =	vmul.f32 v38, v38;
	v44 =	vmul.f32 v44, v44  }
0x6f: {  	v20 =	vadd.f32 v30, v20;
	v38 =	vmul.f32 v41, v41;
	v19 =	vmul.f32 v19, v19  }
0x70: {  	v17 =	vadd.f32 v21, v17;
	v30 =	vmax.f32 v26, v35;
	v21 =	vadd.f32 v51, v36  }
0x71: {  	v41 =	vmax.f32 v30, v46;
	v36 =	vmax.f32 v49, v50;
	v19 =	vadd.f32 v19, v44  }
.Ltmp0:
0x72: {  	v42 =	vmul.f32 v42, v42;
	v44 =	vmax.f32 v48, v45;
	v17 =	vadd.f32 v21, v17;
	[tilespmem:s24+$0xFFFFFFD0] =	vst v41;
	(pc) =	sbr.rel @p1 .LBB2_3-.Ltmp0, $4  }
0x73: {  	v37 =	vadd.f32 v37, v54;
	v46 =	vmax.f32 v44, v36;
	v19 =	vadd.f32 v19, v20;
	v30 =	vld.idx.msk [tilespmem:v53+s2+$0x0], $0xffff  }
0x74: {  	v31 =	vadd.f32 v31, v17;
	v36 =	vld.idx.msk [tilespmem:v47+s2+$0x0], $0xffff;
	[tilespmem:s22+$0x0] =	vst v46;
	v47 =	vsub.f32 v46, v48  }
0x75: {  	v17 =	vor.u32 v52, v32;
	v21 =	vsub.f32 v46, v45;
	v20 =	vadd.f32 v34, v19;
	v40 =	vld.idx.msk [tilespmem:v40+s2+$0x0], $0xffff  }
0x76: {  	v44 =	vsub.f32 v46, v49;
	v34 =	vld.idx.msk [tilespmem:v43+s2+$0x0], $0xffff;
	v43 =	vsub.f32 v46, v50;
	v19 =	vmul.f32 v47, v47  }
0x77: {  	_ =	sdelay $0x3  }
0x78: {  	v28 =	vld.idx.msk [tilespmem:v28+s2+$0x0], $0xffff  }
0x79: {  	v39 =	vld.idx.msk [tilespmem:v39+s2+$0x0], $0xffff  }
0x7a: {  	v25 =	vld.idx.msk [tilespmem:v25+s2+$0x0], $0xffff  }
0x7b: {  	v24 =	vld.idx.msk [tilespmem:v24+s2+$0x0], $0xffff;
	_ =	sdelay $0x2  }
0x7c: {  	v45 =	vor.u32 v2, v12;
	v46 =	vor.u32 v3, v9  }
0x7d: {  	v49 =	vor.u32 v2, v9;
	v47 =	vmax.f32 v36, v30;
	v48 =	vmax.f32 v34, v39  }
0x7e: {  	v58 =	vmax.f32 v28, v25;
	v50 =	vmax.f32 v24, v40;
	v47 =	vmax.f32 v48, v47  }
0x7f: {  	v59 =	vor.u32 v3, v12;
	v31 =	vadd.f32 v37, v31;
	v48 =	vmax.f32 v58, v50;
	[tilespmem:s24+$0xFFFFFFE0] =	vst v47  }
0x80: {  	v60 =	vor.u32 v5, v10;
	v38 =	vadd.f32 v42, v38;
	[tilespmem:s22+$0x10] =	vst v48;
	v23 =	vld.idx.msk [tilespmem:v23+s2+$0x0], $0xffff  }
0x81: {  	v22 =	vsub.f32 v33, v22;
	v14 =	vsub.f32 v33, v14;
	v42 =	vld.idx.msk [tilespmem:v45+s2+$0x0], $0xffff  }
0x82: {  	v26 =	vsub.f32 v41, v26;
	v35 =	vsub.f32 v41, v35;
	v61 =	vmul.f32 v44, v44;
	v44 =	vld.idx.msk [tilespmem:v49+s2+$0x0], $0xffff  }
0x83: {  	v27 =	vsub.f32 v41, v27;
	v29 =	vsub.f32 v41, v29;
	v63 =	vor.u32 v5, v12;
	v45 =	vld.idx.msk [tilespmem:v46+s2+$0x0], $0xffff  }
0x84: {  	v51 =	vor.u32 v6, v10;
	v13 =	vmul.f32 v13, v13;
	v21 =	vmul.f32 v21, v21;
	v41 =	vld.idx.msk [tilespmem:v59+s2+$0x0], $0xffff  }
0x85: {  	v52 =	vor.u32 v7, v8;
	v43 =	vmul.f32 v43, v43;
	v22 =	vmul.f32 v22, v22;
	v37 =	vld.idx.msk [tilespmem:v60+s2+$0x0], $0xffff  }
0x86: {  	v8 =	vor.u32 v6, v8;
	v14 =	vmul.f32 v14, v14;
	v26 =	vmul.f32 v26, v26;
	v16 =	vld.idx.msk [tilespmem:v16+s2+$0x0], $0xffff  }
0x87: {  	v31 =	vadd.f32 v38, v31;
	v35 =	vmul.f32 v35, v35;
	v27 =	vmul.f32 v27, v27;
	v15 =	vld.idx.msk [tilespmem:v15+s2+$0x0], $0xffff  }
0x88: {  	v29 =	vmul.f32 v29, v29;
	v11 =	vadd.f32 v13, v11;
	v19 =	vadd.f32 v21, v19  }
0x89: {  	v57 =	vor.u32 v7, v10;
	v33 =	vadd.f32 v43, v61;
	v22 =	vadd.f32 v14, v22  }
0x8a: {  	v26 =	vadd.f32 v35, v26;
	v14 =	vor.u32 v18, v32;
	v18 =	vadd.f32 v29, v27  }
0x8b: {  	v49 =	vsub.f32 v48, v40;
	v53 =	vmax.f32 v44, v45;
	v54 =	vmax.f32 v42, v41  }
0x8c: {  	v55 =	vmax.f32 v16, v37;
	v56 =	vmax.f32 v15, v23;
	v40 =	vmax.f32 v54, v53  }
0x8d: {  	v11 =	vadd.f32 v11, v20;
	v19 =	vadd.f32 v19, v31;
	v43 =	vmax.f32 v55, v56;
	[tilespmem:s22+$0x20] =	vst v40  }
0x8e: {  	v50 =	vor.u32 v5, v9;
	v62 =	vsub.f32 v48, v28;
	[tilespmem:s24+$0xFFFFFFF0] =	vst v43;
	v28 =	vld.idx.msk [tilespmem:v63+s2+$0x0], $0xffff  }
0x8f: {  	v58 =	vor.u32 v4, v9;
	v11 =	vadd.f32 v22, v11;
	v25 =	vsub.f32 v48, v25;
	v38 =	vld.idx.msk [tilespmem:v52+s2+$0x0], $0xffff  }
0x90: {  	v24 =	vsub.f32 v48, v24;
	v34 =	vsub.f32 v47, v34;
	v59 =	vor.u32 v4, v12;
	v35 =	vld.idx.msk [tilespmem:v51+s2+$0x0], $0xffff  }
0x91: {  	v39 =	vsub.f32 v47, v39;
	v27 =	vmul.f32 v62, v62;
	v25 =	vmul.f32 v25, v25;
	v8 =	vld.idx.msk [tilespmem:v8+s2+$0x0], $0xffff  }
0x92: {  	v36 =	vsub.f32 v47, v36;
	v24 =	vmul.f32 v24, v24;
	v29 =	vmul.f32 v49, v49;
	v10 =	vld.idx.msk [tilespmem:v57+s2+$0x0], $0xffff  }
0x93: {  	v61 =	vor.u32 v1, v14;
	v30 =	vsub.f32 v47, v30;
	v25 =	vadd.f32 v25, v27;
	v32 =	vld.idx.msk [tilespmem:v50+s2+$0x0], $0xffff  }
0x94: {  	v60 =	vor.u32 v0, v14;
	v11 =	vadd.f32 v33, v11;
	v24 =	vadd.f32 v29, v24;
	v9 =	vld.idx.msk [tilespmem:v58+s2+$0x0], $0xffff  }
0x95: {  	v19 =	vadd.f32 v25, v19;
	v42 =	vsub.f32 v40, v42;
	v63 =	vor.u32 v1, v17;
	v12 =	vld.idx.msk [tilespmem:v59+s2+$0x0], $0xffff  }
0x96: {  	v62 =	vor.u32 v0, v17;
	v41 =	vsub.f32 v40, v41;
	v44 =	vsub.f32 v40, v44  }
0x97: {  	v40 =	vsub.f32 v40, v45;
	v49 =	vmax.f32 v8, v38;
	v50 =	vmax.f32 v35, v10  }
0x98: {  	v20 =	vmul.f32 v42, v42;
	v41 =	vmul.f32 v41, v41;
	v21 =	vmax.f32 v50, v49  }
0x99: {  	v11 =	vadd.f32 v24, v11;
	v48 =	vmul.f32 v44, v44;
	v40 =	vmul.f32 v40, v40;
	[tilespmem:s23+$0x0] =	vst v21  }
0x9a: {  	v16 =	vsub.f32 v43, v16;
	v52 =	vmax.f32 v12, v28;
	v53 =	vmax.f32 v9, v32;
	v13 =	vld.idx.msk [tilespmem:v63+s2+$0x0], $0xffff  }
0x9b: {  	v20 =	vadd.f32 v41, v20;
	v51 =	vadd.f32 v40, v48;
	v31 =	vmax.f32 v52, v53;
	v27 =	vld.idx.msk [tilespmem:v60+s2+$0x0], $0xffff  }
0x9c: {  	v34 =	vmul.f32 v34, v34;
	v12 =	vsub.f32 v31, v12;
	v28 =	vsub.f32 v31, v28;
	v55 =	vld.idx.msk [tilespmem:v61+s2+$0x0], $0xffff  }
0x9d: {  	v54 =	vmul.f32 v39, v39;
	v9 =	vsub.f32 v31, v9;
	v56 =	vsub.f32 v31, v32;
	v57 =	vld.idx.msk [tilespmem:v62+s2+$0x0], $0xffff  }
0x9e: {  	v19 =	vadd.f32 v20, v19;
	v12 =	vmul.f32 v12, v12;
	v28 =	vmul.f32 v28, v28  }
0x9f: {  	v20 =	vsub.f32 v43, v37;
	v9 =	vmul.f32 v9, v9;
	v58 =	vmul.f32 v56, v56  }
0xa0: {  	v59 =	vor.u32 v2, v14;
	v11 =	vadd.f32 v51, v11;
	v12 =	vadd.f32 v28, v12  }
0xa1: {  	v37 =	vor.u32 v3, v14;
	v60 =	vor.u32 v3, v17;
	v9 =	vadd.f32 v58, v9  }
0xa2: {  	v12 =	vadd.f32 v12, v19;
	v61 =	vmax.f32 v27, v55;
	v62 =	vmax.f32 v57, v13  }
0xa3: {  	v19 =	vor.u32 v2, v17;
	v9 =	vadd.f32 v9, v11;
	v63 =	vmax.f32 v61, v62  }
0xa4: {  	v15 =	vsub.f32 v43, v15;
	v23 =	vsub.f32 v43, v23;
	[tilespmem:s23+$0x10] =	vst v63  }
0xa5: {  	v46 =	vor.u32 v5, v14;
	v39 =	vadd.f32 v54, v34;
	v9 =	vadd.f32 v18, v9;
	v18 =	vld.idx.msk [tilespmem:v59+s2+$0x0], $0xffff  }
0xa6: {  	v16 =	vmul.f32 v16, v16;
	v40 =	vsub.f32 v21, v35;
	v10 =	vsub.f32 v21, v10;
	v41 =	vld.idx.msk [tilespmem:v60+s2+$0x0], $0xffff  }
0xa7: {  	v8 =	vsub.f32 v21, v8;
	v20 =	vmul.f32 v20, v20;
	v21 =	vsub.f32 v21, v38;
	v42 =	vld.idx.msk [tilespmem:v37+s2+$0x0], $0xffff  }
0xa8: {  	v15 =	vmul.f32 v15, v15;
	v48 =	vor.u32 v5, v17;
	v43 =	vmul.f32 v23, v23;
	v19 =	vld.idx.msk [tilespmem:v19+s2+$0x0], $0xffff  }
0xa9: {  	v16 =	vadd.f32 v20, v16;
	v8 =	vmul.f32 v8, v8;
	v20 =	vmul.f32 v21, v21  }
0xaa: {  	v14 =	vor.u32 v4, v14;
	v51 =	vmul.f32 v36, v36;
	v53 =	vmul.f32 v40, v40  }
0xab: {  	v10 =	vmul.f32 v10, v10;
	v8 =	vadd.f32 v20, v8;
	v12 =	vadd.f32 v26, v12  }
0xac: {  	v17 =	vor.u32 v4, v17;
	v45 =	vsub.f32 v63, v57;
	v11 =	vsub.f32 v63, v13  }
0xad: {  	v12 =	vadd.f32 v39, v12;
	v50 =	vmax.f32 v18, v42;
	v49 =	vmax.f32 v19, v41  }
0xae: {  	v44 =	vsub.f32 v63, v27;
	v25 =	vsub.f32 v63, v55;
	v29 =	vmax.f32 v50, v49  }
0xaf: {  	v11 =	vmul.f32 v11, v11;
	v12 =	vadd.f32 v16, v12;
	v16 =	vmul.f32 v45, v45;
	[tilespmem:s23+$0x20] =	vst v29  }
0xb0: {  	v10 =	vadd.f32 v10, v53;
	v47 =	vmul.f32 v44, v44;
	v25 =	vmul.f32 v25, v25;
	v20 =	vld.idx.msk [tilespmem:v46+s2+$0x0], $0xffff  }
0xb1: {  	v15 =	vadd.f32 v43, v15;
	v11 =	vadd.f32 v11, v16;
	v16 =	vmul.f32 v30, v30;
	v52 =	vld.idx.msk [tilespmem:v48+s2+$0x0], $0xffff  }
0xb2: {  	v13 =	vadd.f32 v25, v47;
	v10 =	vadd.f32 v10, v12;
	v17 =	vld.idx.msk [tilespmem:v17+s2+$0x0], $0xffff  }
0xb3: {  	v16 =	vadd.f32 v16, v51;
	v18 =	vsub.f32 v29, v18;
	v14 =	vld.idx.msk [tilespmem:v14+s2+$0x0], $0xffff  }
0xb4: {  	v19 =	vsub.f32 v29, v19;
	v22 =	vsub.f32 v29, v41  }
0xb5: {  	v24 =	vsub.f32 v29, v42;
	v9 =	vadd.f32 v16, v9  }
0xb6: {  	v55 =	vadd.f32 v13, v10;
	v16 =	vmul.f32 v19, v19;
	v19 =	vmul.f32 v22, v22  }
0xb7: {  	v18 =	vmul.f32 v18, v18;
	v24 =	vmul.f32 v24, v24;
	v9 =	vadd.f32 v15, v9  }
0xb8: {  	v54 =	vadd.f32 v19, v16;
	v15 =	vmax.f32 v14, v20;
	v16 =	vmax.f32 v17, v52  }
0xb9: {  	v18 =	vadd.f32 v24, v18;
	v8 =	vadd.f32 v8, v9;
	v56 =	vmax.f32 v15, v16  }
0xba: {  	v57 =	vsub.f32 v56, v14;
	v58 =	vsub.f32 v56, v20  }
0xbb: {  	v15 =	vsub.f32 v56, v17;
	v16 =	vsub.f32 v56, v52  }
0xbc: {  	s20 =	smul.u32 $0x3800, s20;
	p1 =	sne.s32 s19, $0x17;
	v8 =	vadd.f32 v11, v8;
	v59 =	vmul.f32 v57, v57;
	v60 =	vmul.f32 v58, v58  }
.Ltmp1:
0xbd: {  	v61 =	vmul.f32 v15, v15;
	v15 =	vmul.f32 v16, v16;
	(pc) =	sbr.rel @p1 .LBB2_6-.Ltmp1, $4  }
0xbe: {  	v9 =	vadd.f32 v18, v55;
	v8 =	vadd.f32 v54, v8  }
0xbf: {  	s20 =	sshrl.u32 s20, $0x3;
	[tilespmem:s22+$0x30] =	vst v31;
	v62 =	vadd.f32 v60, v59;
	v63 =	vadd.f32 v15, v61  }
0xc0: {  	s20 =	sadd.s32 s4, s20;
	[tilespmem:s23+$0x30] =	vst v56  }
0xc1: {  	[hbm4b:s20+s2] =	stream.linear.scatter [tilespmem:s11], [sflag:$0x3], $0x1C00, $0x38;
	v17 =	vadd.f32 v62, v9;
	v19 =	vadd.f32 v63, v8;
	[tilespmem:$0x11880] =	vst v63  }
.Ltmp2:
0xc2: {  	(pc) =	sbr.rel .LBB2_7-.Ltmp2, $4  }
0xc3: {  	_ = 	snop  }
0xc4: {  	_ =	swait.ge [sflag:s12], $0x7000  }
0xc5: {  	[sflag:s12] =	ssyncset.done $0x0  }
0xc6: {  	[sflag:s12] =	ssyncadd.s32 $0xFFFF9000  }
.LBB2_6:
.Ltmp3:
0xc7: {  	s21 =	sadd.s32 $0x1C00, s21;
	(pc) =	sbr.rel @p0 .LBB2_8-.Ltmp3, $4  }
0xc8: {  	[tilespmem:s2], [sflag:$0x1] =	stream.linear.gather [hbm4b:s21+s2], $0x7000, $0x38;
	[tilespmem:$0x11880] =	vst v63  }
0xc9: {  	_ =	swait.ge [sflag:s12], $0x7000  }
0xca: {  	[sflag:s12] =	ssyncset.done $0x0  }
0xcb: {  	[sflag:s12] =	ssyncadd.s32 $0xFFFF9000  }
.LBB2_7:
0xcc: {  	_ =	swait.ge [sflag:s13], $0x1C00  }
0xcd: {  	[sflag:s13] =	ssyncset.done $0x0  }
0xce: {  	[sflag:s13] =	ssyncadd.s32 $0xFFFFE400  }
.LBB2_8:
0xcf: {  	s21 =	simm.s32 $0x0  }
0xd0: {  	v8 =	vmov s21  }
0xd1: {  	v9 =	vshll.u32 v8, $0x8;
	v8 =	vshll.u32 v8, $0x7  }
0xd2: {  	v9 =	vand.u32 $0x7800, v9;
	v11 =	vand.u32 $0x300, v8  }
0xd3: {  	v12 =	vor.u32 v11, v9  }
0xd4: {  	v13 =	vor.u32 $0x80, v11;
	v8 =	vor.u32 v0, v12  }
0xd5: {  	v15 =	vor.u32 v9, v13;
	v16 =	vor.u32 v1, v12  }
0xd6: {  	v10 =	vor.u32 v0, v15  }
0xd7: {  	v14 =	vor.u32 v1, v15;
	_ =	sdelay $0x1  }
0xd8: {  	v20 =	vld.idx.msk [tilespmem:v8+s9+$0x0], $0xffff  }
0xd9: {  	v16 =	vld.idx.msk [tilespmem:v16+s9+$0x0], $0xffff  }
0xda: {  	v21 =	vld.idx.msk [tilespmem:v10+s9+$0x0], $0xffff  }
0xdb: {  	v23 =	vld.idx.msk [tilespmem:v14+s9+$0x0], $0xffff;
	_ =	sdelay $0x2  }
0xdc: {  	v8 =	vor.u32 v3, v15  }
0xdd: {  	v10 =	vor.u32 v2, v15  }
0xde: {  	v14 =	vor.u32 v2, v12;
	v22 =	vmax.f32 v20, v16;
	v18 =	vmax.f32 v21, v23  }
0xdf: {  	s21 =	simm.s32 $0xFC30;
	v24 =	vor.u32 v3, v12;
	v25 =	vmax.f32 v22, v18  }
0xe0: {  	[tilespmem:s21+$0xFFFFFFD0] =	vst v25  }
0xe1: {  	v28 =	vld.idx.msk [tilespmem:v8+s9+$0x0], $0xffff  }
0xe2: {  	v30 =	vld.idx.msk [tilespmem:v10+s9+$0x0], $0xffff  }
0xe3: {  	v31 =	vld.idx.msk [tilespmem:v14+s9+$0x0], $0xffff  }
0xe4: {  	v24 =	vld.idx.msk [tilespmem:v24+s9+$0x0], $0xffff;
	_ =	sdelay $0x2  }
0xe5: {  	v8 =	vor.u32 v5, v15  }
0xe6: {  	v10 =	vor.u32 v5, v12  }
0xe7: {  	v22 =	vor.u32 v4, v12;
	v14 =	vmax.f32 v30, v28;
	v18 =	vmax.f32 v31, v24  }
0xe8: {  	s22 =	simm.s32 $0x2;
	v26 =	vor.u32 v4, v15;
	v32 =	vmax.f32 v18, v14  }
0xe9: {  	v18 =	vmov s22;
	[tilespmem:s21+$0xFFFFFFE0] =	vst v32  }
0xea: {  	v14 =	vld.idx.msk [tilespmem:v8+s9+$0x0], $0xffff;
	v8 =	vshll.u32 v18, $0x8;
	v18 =	vshll.u32 v18, $0x7  }
0xeb: {  	v36 =	vld.idx.msk [tilespmem:v10+s9+$0x0], $0xffff;
	v34 =	vand.u32 $0x7800, v8;
	v18 =	vand.u32 $0x300, v18  }
0xec: {  	v37 =	vld.idx.msk [tilespmem:v22+s9+$0x0], $0xffff;
	v10 =	vor.u32 v18, v34;
	v40 =	vor.u32 $0x80, v18  }
0xed: {  	v35 =	vor.u32 $0x400, v9;
	v22 =	vld.idx.msk [tilespmem:v26+s9+$0x0], $0xffff;
	v27 =	vor.u32 v0, v10;
	v8 =	vor.u32 v34, v40  }
0xee: {  	v9 =	vor.u32 v13, v35;
	v29 =	vor.u32 v0, v8  }
0xef: {  	v39 =	vor.u32 v6, v12;
	v13 =	vsub.f32 v25, v20;
	v20 =	vor.u32 v1, v8  }
0xf0: {  	v38 =	vor.u32 v7, v15;
	v16 =	vsub.f32 v25, v16;
	v21 =	vsub.f32 v25, v21  }
0xf1: {  	v23 =	vsub.f32 v25, v23;
	v15 =	vor.u32 v6, v15;
	v13 =	vmul.f32 v13, v13  }
0xf2: {  	v25 =	vor.u32 v1, v10;
	v33 =	vmax.f32 v37, v36;
	v41 =	vmax.f32 v22, v14;
	v26 =	vld.idx.msk [tilespmem:v27+s9+$0x0], $0xffff  }
0xf3: {  	v16 =	vmul.f32 v16, v16;
	v21 =	vmul.f32 v21, v21;
	v33 =	vmax.f32 v33, v41;
	v27 =	vld.idx.msk [tilespmem:v29+s9+$0x0], $0xffff  }
0xf4: {  	v23 =	vmul.f32 v23, v23;
	[tilespmem:s21+$0xFFFFFFF0] =	vst v33;
	v29 =	vld.idx.msk [tilespmem:v20+s9+$0x0], $0xffff;
	v20 =	vor.u32 v7, v12  }
0xf5: {  	v48 =	vor.u32 v1, v9;
	v43 =	vadd.f32 v16, v13;
	v13 =	vsub.f32 v32, v24;
	v45 =	vld.idx.msk [tilespmem:v38+s9+$0x0], $0xffff  }
0xf6: {  	v21 =	vadd.f32 v23, v21;
	v31 =	vsub.f32 v32, v31;
	v24 =	vor.u32 v0, v9;
	v46 =	vld.idx.msk [tilespmem:v39+s9+$0x0], $0xffff  }
0xf7: {  	v44 =	vmul.f32 v13, v13;
	v13 =	vsub.f32 v32, v28;
	v12 =	vor.u32 v11, v35;
	v35 =	vld.idx.msk [tilespmem:v25+s9+$0x0], $0xffff  }
0xf8: {  	v31 =	vmul.f32 v31, v31;
	v16 =	vor.u32 v4, v10;
	v51 =	vor.u32 v2, v10;
	v47 =	vld.idx.msk [tilespmem:v15+s9+$0x0], $0xffff  }
0xf9: {  	v23 =	vor.u32 v5, v8;
	v50 =	vor.u32 v2, v8;
	v60 =	vsub.f32 v33, v36;
	v49 =	vld.idx.msk [tilespmem:v20+s9+$0x0], $0xffff  }
0xfa: {  	v15 =	vor.u32 v4, v8;
	v39 =	vor.u32 v3, v10;
	v11 =	vsub.f32 v32, v30  }
0xfb: {  	v30 =	vsub.f32 v33, v37;
	v42 =	vmul.f32 v60, v60;
	v37 =	vadd.f32 v44, v31  }
0xfc: {  	v20 =	vor.u32 v3, v8;
	v61 =	vmax.f32 v27, v29;
	v62 =	vmax.f32 v26, v35  }
0xfd: {  	s23 =	simm.s32 $0xFCB0;
	v32 =	vor.u32 $0x400, v34;
	v31 =	vadd.f32 v43, v17;
	v41 =	vmax.f32 v62, v61  }
0xfe: {  	v28 =	vor.u32 v0, v12;
	v63 =	vmax.f32 v47, v45;
	[tilespmem:s23+$0xFFFFFFD0] =	vst v41;
	v52 =	vmax.f32 v46, v49  }
0xff: {  	v25 =	vor.u32 v1, v12;
	v17 =	vor.u32 v40, v32;
	v36 =	vld.idx.msk [tilespmem:v50+s9+$0x0], $0xffff;
	v52 =	vmax.f32 v52, v63  }
0x100: {  	v11 =	vmul.f32 v11, v11;
	v38 =	vmul.f32 v30, v30;
	v34 =	vld.idx.msk [tilespmem:v51+s9+$0x0], $0xffff;
	v46 =	vsub.f32 v52, v46  }
0x101: {  	v30 =	vld.idx.msk [tilespmem:v20+s9+$0x0], $0xffff;
	v20 =	vadd.f32 v21, v19;
	[tilespmem:s21+$0x0] =	vst v52;
	v21 =	vsub.f32 v52, v49  }
0x102: {  	s19 =	sadd.s32 $0x1, s19;
	s24 =	simm.s32 $0x4;
	s22 =	simm.s32 $0xFCB0;
	v44 =	vsub.f32 v52, v47;
	v43 =	vsub.f32 v52, v45;
	v40 =	vld.idx.msk [tilespmem:v48+s9+$0x0], $0xffff;
	v19 =	vmul.f32 v46, v46  }
.LBB2_9:
0x103: {  	p0 =	sne.s32 s24, $0x6E;
	v18 =	vor.u32 v18, v32;
	v31 =	vadd.f32 v37, v31;
	v32 =	vadd.f32 v42, v38;
	v28 =	vld.idx.msk [tilespmem:v28+s9+$0x0], $0xffff;
	s25 =	smov.u32 s24;
	s24 =	sadd.s32 $0x2, s24  }
0x104: {  	v22 =	vsub.f32 v33, v22;
	v37 =	vld.idx.msk [tilespmem:v39+s9+$0x0], $0xffff;
	v39 =	vmul.f32 v44, v44;
	v42 =	vmul.f32 v43, v43  }
0x105: {  	v14 =	vsub.f32 v33, v14;
	v38 =	vadd.f32 v32, v31;
	v25 =	vld.idx.msk [tilespmem:v25+s9+$0x0], $0xffff;
	v32 =	vor.u32 v2, v12  }
0x106: {  	v26 =	vsub.f32 v41, v26;
	v22 =	vmul.f32 v22, v22;
	v39 =	vadd.f32 v42, v39;
	v24 =	vld.idx.msk [tilespmem:v24+s9+$0x0], $0xffff  }
0x107: {  	v27 =	vsub.f32 v41, v27;
	v31 =	vsub.f32 v41, v35;
	v14 =	vmul.f32 v14, v14  }
0x108: {  	v29 =	vsub.f32 v41, v29;
	v33 =	vor.u32 v3, v9;
	v26 =	vmul.f32 v26, v26  }
0x109: {  	v35 =	vmax.f32 v36, v30;
	v31 =	vmul.f32 v31, v31;
	v41 =	vadd.f32 v14, v22  }
0x10a: {  	v14 =	vmul.f32 v27, v27;
	v22 =	vmul.f32 v29, v29;
	v27 =	vmax.f32 v34, v37  }
0x10b: {  	v31 =	vadd.f32 v31, v26;
	v26 =	vmax.f32 v27, v35;
	v27 =	vor.u32 v2, v9  }
0x10c: {  	v29 =	vmax.f32 v28, v25;
	v35 =	vsub.f32 v26, v34;
	v42 =	vmax.f32 v24, v40;
	[tilespmem:s23+$0xFFFFFFE0] =	vst v26  }
0x10d: {  	v34 =	vadd.f32 v22, v14;
	v22 =	vsub.f32 v26, v37;
	v14 =	vld.idx.msk [tilespmem:v23+s9+$0x0], $0xffff;
	v23 =	vmax.f32 v29, v42  }
0x10e: {  	v29 =	vor.u32 v3, v12;
	[tilespmem:s21+$0x10] =	vst v23;
	v28 =	vsub.f32 v23, v28;
	v25 =	vsub.f32 v23, v25  }
0x10f: {  	v37 =	vmul.f32 v22, v22;
	v22 =	vsub.f32 v23, v24;
	v23 =	vsub.f32 v23, v40;
	v42 =	vld.idx.msk [tilespmem:v32+s9+$0x0], $0xffff  }
0x110: {  	v24 =	vsub.f32 v26, v36;
	v28 =	vmul.f32 v28, v28;
	v25 =	vmul.f32 v25, v25;
	v27 =	vld.idx.msk [tilespmem:v27+s9+$0x0], $0xffff  }
0x111: {  	v26 =	vsub.f32 v26, v30;
	v22 =	vmul.f32 v22, v22;
	v23 =	vmul.f32 v23, v23;
	v30 =	vld.idx.msk [tilespmem:v33+s9+$0x0], $0xffff  }
0x112: {  	v32 =	vmul.f32 v24, v24;
	v36 =	vadd.f32 v25, v28  }
0x113: {  	v44 =	vor.u32 v4, v9;
	v33 =	vor.u32 v4, v12;
	v43 =	vadd.f32 v23, v22  }
0x114: {  	v45 =	vor.u32 v5, v12;
	v46 =	vor.u32 v5, v9;
	v23 =	vmul.f32 v13, v13;
	v29 =	vld.idx.msk [tilespmem:v29+s9+$0x0], $0xffff  }
0x115: {  	v12 =	vmovc v18;
	v22 =	vor.u32 v5, v10;
	v28 =	vor.u32 v0, v18;
	v25 =	vor.u32 v1, v18  }
0x116: {  	v40 =	vor.u32 v1, v17;
	v24 =	vor.u32 v0, v17;
	v13 =	vmovc v26;
	v47 =	vadd.f32 v23, v11  }
0x117: {  	v48 =	vor.u32 v6, v10;
	v49 =	vor.u32 v6, v8;
	v9 =	vmovc v17;
	v18 =	vmov s25;
	v11 =	vmovc v32  }
0x118: {  	v50 =	vor.u32 v7, v8;
	v17 =	vshll.u32 v18, $0x8;
	v18 =	vshll.u32 v18, $0x7  }
0x119: {  	v17 =	vand.u32 $0x7800, v17;
	v18 =	vand.u32 $0x300, v18;
	v23 =	vmax.f32 v27, v30  }
0x11a: {  	v51 =	vor.u32 v18, v17;
	v52 =	vor.u32 $0x80, v18;
	v53 =	vld.idx.msk [tilespmem:v22+s9+$0x0], $0xffff;
	v22 =	vmax.f32 v42, v29  }
0x11b: {  	v26 =	vor.u32 v0, v51;
	v8 =	vor.u32 v17, v52;
	v54 =	vld.idx.msk [tilespmem:v16+s9+$0x0], $0xffff;
	v55 =	vmax.f32 v22, v23  }
0x11c: {  	v32 =	vor.u32 $0x400, v17;
	v56 =	vor.u32 v0, v8;
	v57 =	vor.u32 v1, v8;
	v22 =	vld.idx.msk [tilespmem:v15+s9+$0x0], $0xffff;
	[tilespmem:s21+$0x20] =	vst v55  }
0x11d: {  	v17 =	vor.u32 v1, v51;
	v16 =	vor.u32 v4, v51;
	v23 =	vor.u32 v5, v8;
	v45 =	vld.idx.msk [tilespmem:v45+s9+$0x0], $0xffff  }
0x11e: {  	v15 =	vor.u32 v4, v8;
	v42 =	vsub.f32 v55, v42;
	v29 =	vsub.f32 v55, v29;
	v46 =	vld.idx.msk [tilespmem:v46+s9+$0x0], $0xffff  }
0x11f: {  	v21 =	vmul.f32 v21, v21;
	v27 =	vsub.f32 v55, v27;
	v30 =	vsub.f32 v55, v30;
	v44 =	vld.idx.msk [tilespmem:v44+s9+$0x0], $0xffff  }
0x120: {  	v20 =	vadd.f32 v47, v20;
	v42 =	vmul.f32 v42, v42;
	v29 =	vmul.f32 v29, v29;
	v47 =	vld.idx.msk [tilespmem:v33+s9+$0x0], $0xffff  }
0x121: {  	v55 =	vmul.f32 v27, v27;
	v30 =	vmul.f32 v30, v30;
	v33 =	vmax.f32 v54, v53;
	v26 =	vld.idx.msk [tilespmem:v26+s9+$0x0], $0xffff  }
0x122: {  	v19 =	vadd.f32 v21, v19;
	v21 =	vadd.f32 v29, v42;
	v27 =	vld.idx.msk [tilespmem:v56+s9+$0x0], $0xffff;
	v56 =	vmax.f32 v22, v14  }
0x123: {  	v20 =	vadd.f32 v41, v20;
	v30 =	vadd.f32 v30, v55;
	v29 =	vld.idx.msk [tilespmem:v57+s9+$0x0], $0xffff;
	v33 =	vmax.f32 v33, v56  }
0x124: {  	v19 =	vadd.f32 v19, v38;
	v10 =	vor.u32 v7, v10;
	[tilespmem:s23+$0xFFFFFFF0] =	vst v33;
	v41 =	vsub.f32 v33, v54  }
0x125: {  	v20 =	vadd.f32 v39, v20;
	v54 =	vmul.f32 v35, v35;
	v42 =	vsub.f32 v33, v53;
	v50 =	vld.idx.msk [tilespmem:v50+s9+$0x0], $0xffff  }
0x126: {  	v35 =	vld.idx.msk [tilespmem:v17+s9+$0x0], $0xffff;
	v17 =	vadd.f32 v36, v19;
	v19 =	vmax.f32 v47, v45;
	v36 =	vmax.f32 v44, v46  }
0x127: {  	v20 =	vadd.f32 v43, v20;
	v53 =	vor.u32 v3, v8;
	v48 =	vld.idx.msk [tilespmem:v48+s9+$0x0], $0xffff;
	v19 =	vmax.f32 v19, v36  }
0x128: {  	v43 =	vor.u32 v2, v51;
	s23 =	sadd.s32 $0x80, s23;
	v49 =	vld.idx.msk [tilespmem:v49+s9+$0x0], $0xffff;
	v36 =	vsub.f32 v19, v47;
	v38 =	vsub.f32 v19, v45  }
0x129: {  	v44 =	vsub.f32 v19, v44;
	v45 =	vld.idx.msk [tilespmem:v10+s9+$0x0], $0xffff;
	[tilespmem:s21+$0x30] =	vst v19;
	v19 =	vsub.f32 v19, v46;
	v10 =	vmov v51;
	s21 =	smov.u32 s22;
	s22 =	smov.u32 s23  }
0x12a: {  	v47 =	vor.u32 v2, v8;
	v46 =	vmax.f32 v27, v29;
	v36 =	vmul.f32 v36, v36  }
0x12b: {  	v39 =	vor.u32 v3, v10;
	v51 =	vmul.f32 v38, v38;
	v44 =	vmul.f32 v44, v44  }
0x12c: {  	v20 =	vadd.f32 v30, v20;
	v38 =	vmul.f32 v41, v41;
	v19 =	vmul.f32 v19, v19  }
0x12d: {  	v17 =	vadd.f32 v21, v17;
	v30 =	vmax.f32 v26, v35;
	v21 =	vadd.f32 v51, v36  }
0x12e: {  	v41 =	vmax.f32 v30, v46;
	v36 =	vmax.f32 v49, v50;
	v19 =	vadd.f32 v19, v44  }
.Ltmp4:
0x12f: {  	v42 =	vmul.f32 v42, v42;
	v44 =	vmax.f32 v48, v45;
	v17 =	vadd.f32 v21, v17;
	[tilespmem:s23+$0xFFFFFFD0] =	vst v41;
	(pc) =	sbr.rel @p0 .LBB2_9-.Ltmp4, $4  }
0x130: {  	v37 =	vadd.f32 v37, v54;
	v46 =	vmax.f32 v44, v36;
	v19 =	vadd.f32 v19, v20;
	v30 =	vld.idx.msk [tilespmem:v53+s9+$0x0], $0xffff  }
0x131: {  	v31 =	vadd.f32 v31, v17;
	v36 =	vld.idx.msk [tilespmem:v47+s9+$0x0], $0xffff;
	[tilespmem:s21+$0x0] =	vst v46;
	v47 =	vsub.f32 v46, v48  }
0x132: {  	v17 =	vor.u32 v52, v32;
	v21 =	vsub.f32 v46, v45;
	v20 =	vadd.f32 v34, v19;
	v40 =	vld.idx.msk [tilespmem:v40+s9+$0x0], $0xffff  }
0x133: {  	v44 =	vsub.f32 v46, v49;
	v34 =	vld.idx.msk [tilespmem:v43+s9+$0x0], $0xffff;
	v43 =	vsub.f32 v46, v50;
	v19 =	vmul.f32 v47, v47  }
0x134: {  	_ =	sdelay $0x3  }
0x135: {  	v28 =	vld.idx.msk [tilespmem:v28+s9+$0x0], $0xffff  }
0x136: {  	v39 =	vld.idx.msk [tilespmem:v39+s9+$0x0], $0xffff  }
0x137: {  	v25 =	vld.idx.msk [tilespmem:v25+s9+$0x0], $0xffff  }
0x138: {  	v24 =	vld.idx.msk [tilespmem:v24+s9+$0x0], $0xffff;
	_ =	sdelay $0x2  }
0x139: {  	v45 =	vor.u32 v2, v12;
	v46 =	vor.u32 v3, v9  }
0x13a: {  	v49 =	vor.u32 v2, v9;
	v47 =	vmax.f32 v36, v30;
	v48 =	vmax.f32 v34, v39  }
0x13b: {  	v58 =	vmax.f32 v28, v25;
	v50 =	vmax.f32 v24, v40;
	v47 =	vmax.f32 v48, v47  }
0x13c: {  	v59 =	vor.u32 v3, v12;
	v31 =	vadd.f32 v37, v31;
	v48 =	vmax.f32 v58, v50;
	[tilespmem:s23+$0xFFFFFFE0] =	vst v47  }
0x13d: {  	v60 =	vor.u32 v5, v10;
	v38 =	vadd.f32 v42, v38;
	[tilespmem:s21+$0x10] =	vst v48;
	v23 =	vld.idx.msk [tilespmem:v23+s9+$0x0], $0xffff  }
0x13e: {  	v22 =	vsub.f32 v33, v22;
	v14 =	vsub.f32 v33, v14;
	v42 =	vld.idx.msk [tilespmem:v45+s9+$0x0], $0xffff  }
0x13f: {  	v26 =	vsub.f32 v41, v26;
	v35 =	vsub.f32 v41, v35;
	v61 =	vmul.f32 v44, v44;
	v44 =	vld.idx.msk [tilespmem:v49+s9+$0x0], $0xffff  }
0x140: {  	v27 =	vsub.f32 v41, v27;
	v29 =	vsub.f32 v41, v29;
	v63 =	vor.u32 v5, v12;
	v45 =	vld.idx.msk [tilespmem:v46+s9+$0x0], $0xffff  }
0x141: {  	v51 =	vor.u32 v6, v10;
	v13 =	vmul.f32 v13, v13;
	v21 =	vmul.f32 v21, v21;
	v41 =	vld.idx.msk [tilespmem:v59+s9+$0x0], $0xffff  }
0x142: {  	v52 =	vor.u32 v7, v8;
	v43 =	vmul.f32 v43, v43;
	v22 =	vmul.f32 v22, v22;
	v37 =	vld.idx.msk [tilespmem:v60+s9+$0x0], $0xffff  }
0x143: {  	v8 =	vor.u32 v6, v8;
	v14 =	vmul.f32 v14, v14;
	v26 =	vmul.f32 v26, v26;
	v16 =	vld.idx.msk [tilespmem:v16+s9+$0x0], $0xffff  }
0x144: {  	v31 =	vadd.f32 v38, v31;
	v35 =	vmul.f32 v35, v35;
	v27 =	vmul.f32 v27, v27;
	v15 =	vld.idx.msk [tilespmem:v15+s9+$0x0], $0xffff  }
0x145: {  	v29 =	vmul.f32 v29, v29;
	v11 =	vadd.f32 v13, v11;
	v19 =	vadd.f32 v21, v19  }
0x146: {  	v57 =	vor.u32 v7, v10;
	v33 =	vadd.f32 v43, v61;
	v22 =	vadd.f32 v14, v22  }
0x147: {  	v26 =	vadd.f32 v35, v26;
	v14 =	vor.u32 v18, v32;
	v18 =	vadd.f32 v29, v27  }
0x148: {  	v49 =	vsub.f32 v48, v40;
	v53 =	vmax.f32 v44, v45;
	v54 =	vmax.f32 v42, v41  }
0x149: {  	v55 =	vmax.f32 v16, v37;
	v56 =	vmax.f32 v15, v23;
	v40 =	vmax.f32 v54, v53  }
0x14a: {  	v11 =	vadd.f32 v11, v20;
	v19 =	vadd.f32 v19, v31;
	v43 =	vmax.f32 v55, v56;
	[tilespmem:s21+$0x20] =	vst v40  }
0x14b: {  	v50 =	vor.u32 v5, v9;
	v62 =	vsub.f32 v48, v28;
	[tilespmem:s23+$0xFFFFFFF0] =	vst v43;
	v28 =	vld.idx.msk [tilespmem:v63+s9+$0x0], $0xffff  }
0x14c: {  	v58 =	vor.u32 v4, v9;
	v11 =	vadd.f32 v22, v11;
	v25 =	vsub.f32 v48, v25;
	v38 =	vld.idx.msk [tilespmem:v52+s9+$0x0], $0xffff  }
0x14d: {  	v24 =	vsub.f32 v48, v24;
	v34 =	vsub.f32 v47, v34;
	v59 =	vor.u32 v4, v12;
	v35 =	vld.idx.msk [tilespmem:v51+s9+$0x0], $0xffff  }
0x14e: {  	v39 =	vsub.f32 v47, v39;
	v27 =	vmul.f32 v62, v62;
	v25 =	vmul.f32 v25, v25;
	v8 =	vld.idx.msk [tilespmem:v8+s9+$0x0], $0xffff  }
0x14f: {  	v36 =	vsub.f32 v47, v36;
	v24 =	vmul.f32 v24, v24;
	v29 =	vmul.f32 v49, v49;
	v10 =	vld.idx.msk [tilespmem:v57+s9+$0x0], $0xffff  }
0x150: {  	v61 =	vor.u32 v1, v14;
	v30 =	vsub.f32 v47, v30;
	v25 =	vadd.f32 v25, v27;
	v32 =	vld.idx.msk [tilespmem:v50+s9+$0x0], $0xffff  }
0x151: {  	v60 =	vor.u32 v0, v14;
	v11 =	vadd.f32 v33, v11;
	v24 =	vadd.f32 v29, v24;
	v9 =	vld.idx.msk [tilespmem:v58+s9+$0x0], $0xffff  }
0x152: {  	v19 =	vadd.f32 v25, v19;
	v42 =	vsub.f32 v40, v42;
	v63 =	vor.u32 v1, v17;
	v12 =	vld.idx.msk [tilespmem:v59+s9+$0x0], $0xffff  }
0x153: {  	v62 =	vor.u32 v0, v17;
	v41 =	vsub.f32 v40, v41;
	v44 =	vsub.f32 v40, v44  }
0x154: {  	v40 =	vsub.f32 v40, v45;
	v49 =	vmax.f32 v8, v38;
	v50 =	vmax.f32 v35, v10  }
0x155: {  	v20 =	vmul.f32 v42, v42;
	v41 =	vmul.f32 v41, v41;
	v21 =	vmax.f32 v50, v49  }
0x156: {  	v11 =	vadd.f32 v24, v11;
	v48 =	vmul.f32 v44, v44;
	v40 =	vmul.f32 v40, v40;
	[tilespmem:s22+$0x0] =	vst v21  }
0x157: {  	v16 =	vsub.f32 v43, v16;
	v52 =	vmax.f32 v12, v28;
	v53 =	vmax.f32 v9, v32;
	v13 =	vld.idx.msk [tilespmem:v63+s9+$0x0], $0xffff  }
0x158: {  	v20 =	vadd.f32 v41, v20;
	v51 =	vadd.f32 v40, v48;
	v31 =	vmax.f32 v52, v53;
	v27 =	vld.idx.msk [tilespmem:v60+s9+$0x0], $0xffff  }
0x159: {  	v34 =	vmul.f32 v34, v34;
	v12 =	vsub.f32 v31, v12;
	v28 =	vsub.f32 v31, v28;
	v55 =	vld.idx.msk [tilespmem:v61+s9+$0x0], $0xffff  }
0x15a: {  	v54 =	vmul.f32 v39, v39;
	v9 =	vsub.f32 v31, v9;
	v56 =	vsub.f32 v31, v32;
	v57 =	vld.idx.msk [tilespmem:v62+s9+$0x0], $0xffff  }
0x15b: {  	v19 =	vadd.f32 v20, v19;
	v12 =	vmul.f32 v12, v12;
	v28 =	vmul.f32 v28, v28  }
0x15c: {  	v20 =	vsub.f32 v43, v37;
	v9 =	vmul.f32 v9, v9;
	v58 =	vmul.f32 v56, v56  }
0x15d: {  	v59 =	vor.u32 v2, v14;
	v11 =	vadd.f32 v51, v11;
	v12 =	vadd.f32 v28, v12  }
0x15e: {  	v37 =	vor.u32 v3, v14;
	v60 =	vor.u32 v3, v17;
	v9 =	vadd.f32 v58, v9  }
0x15f: {  	v12 =	vadd.f32 v12, v19;
	v61 =	vmax.f32 v27, v55;
	v62 =	vmax.f32 v57, v13  }
0x160: {  	v19 =	vor.u32 v2, v17;
	v9 =	vadd.f32 v9, v11;
	v63 =	vmax.f32 v61, v62  }
0x161: {  	v15 =	vsub.f32 v43, v15;
	v23 =	vsub.f32 v43, v23;
	[tilespmem:s22+$0x10] =	vst v63  }
0x162: {  	v46 =	vor.u32 v5, v14;
	v39 =	vadd.f32 v54, v34;
	v9 =	vadd.f32 v18, v9;
	v18 =	vld.idx.msk [tilespmem:v59+s9+$0x0], $0xffff  }
0x163: {  	v16 =	vmul.f32 v16, v16;
	v40 =	vsub.f32 v21, v35;
	v10 =	vsub.f32 v21, v10;
	v41 =	vld.idx.msk [tilespmem:v60+s9+$0x0], $0xffff  }
0x164: {  	v8 =	vsub.f32 v21, v8;
	v20 =	vmul.f32 v20, v20;
	v21 =	vsub.f32 v21, v38;
	v42 =	vld.idx.msk [tilespmem:v37+s9+$0x0], $0xffff  }
0x165: {  	v15 =	vmul.f32 v15, v15;
	v48 =	vor.u32 v5, v17;
	v43 =	vmul.f32 v23, v23;
	v19 =	vld.idx.msk [tilespmem:v19+s9+$0x0], $0xffff  }
0x166: {  	v16 =	vadd.f32 v20, v16;
	v8 =	vmul.f32 v8, v8;
	v20 =	vmul.f32 v21, v21  }
0x167: {  	v14 =	vor.u32 v4, v14;
	v51 =	vmul.f32 v36, v36;
	v53 =	vmul.f32 v40, v40  }
0x168: {  	v10 =	vmul.f32 v10, v10;
	v8 =	vadd.f32 v20, v8;
	v12 =	vadd.f32 v26, v12  }
0x169: {  	v17 =	vor.u32 v4, v17;
	v45 =	vsub.f32 v63, v57;
	v11 =	vsub.f32 v63, v13  }
0x16a: {  	v12 =	vadd.f32 v39, v12;
	v50 =	vmax.f32 v18, v42;
	v49 =	vmax.f32 v19, v41  }
0x16b: {  	v44 =	vsub.f32 v63, v27;
	v25 =	vsub.f32 v63, v55;
	v29 =	vmax.f32 v50, v49  }
0x16c: {  	v11 =	vmul.f32 v11, v11;
	v12 =	vadd.f32 v16, v12;
	v16 =	vmul.f32 v45, v45;
	[tilespmem:s22+$0x20] =	vst v29  }
0x16d: {  	v10 =	vadd.f32 v10, v53;
	v47 =	vmul.f32 v44, v44;
	v25 =	vmul.f32 v25, v25;
	v20 =	vld.idx.msk [tilespmem:v46+s9+$0x0], $0xffff  }
0x16e: {  	v15 =	vadd.f32 v43, v15;
	v11 =	vadd.f32 v11, v16;
	v16 =	vmul.f32 v30, v30;
	v52 =	vld.idx.msk [tilespmem:v48+s9+$0x0], $0xffff  }
0x16f: {  	v13 =	vadd.f32 v25, v47;
	v10 =	vadd.f32 v10, v12;
	v17 =	vld.idx.msk [tilespmem:v17+s9+$0x0], $0xffff  }
0x170: {  	v16 =	vadd.f32 v16, v51;
	v18 =	vsub.f32 v29, v18;
	v14 =	vld.idx.msk [tilespmem:v14+s9+$0x0], $0xffff  }
0x171: {  	v19 =	vsub.f32 v29, v19;
	v22 =	vsub.f32 v29, v41  }
0x172: {  	v24 =	vsub.f32 v29, v42;
	v9 =	vadd.f32 v16, v9  }
0x173: {  	v55 =	vadd.f32 v13, v10;
	v16 =	vmul.f32 v19, v19;
	v19 =	vmul.f32 v22, v22  }
0x174: {  	v18 =	vmul.f32 v18, v18;
	v24 =	vmul.f32 v24, v24;
	v9 =	vadd.f32 v15, v9  }
0x175: {  	v54 =	vadd.f32 v19, v16;
	v15 =	vmax.f32 v14, v20;
	v16 =	vmax.f32 v17, v52  }
0x176: {  	v18 =	vadd.f32 v24, v18;
	v8 =	vadd.f32 v8, v9;
	v56 =	vmax.f32 v15, v16  }
0x177: {  	v57 =	vsub.f32 v56, v14;
	v58 =	vsub.f32 v56, v20  }
0x178: {  	v15 =	vsub.f32 v56, v17;
	v16 =	vsub.f32 v56, v52  }
0x179: {  	p0 =	sne.s32 s19, $0x18;
	v8 =	vadd.f32 v11, v8;
	v59 =	vmul.f32 v57, v57;
	v60 =	vmul.f32 v58, v58  }
.Ltmp5:
0x17a: {  	v61 =	vmul.f32 v15, v15;
	v15 =	vmul.f32 v16, v16;
	(pc) =	sbr.rel @p0 .LBB2_2-.Ltmp5, $4  }
0x17b: {  	v9 =	vadd.f32 v18, v55;
	v8 =	vadd.f32 v54, v8  }
0x17c: {  	[tilespmem:s21+$0x30] =	vst v31;
	v62 =	vadd.f32 v60, v59;
	v63 =	vadd.f32 v15, v61  }
0x17d: {  	s20 =	sadd.s32 $0x380, s20;
	[tilespmem:s22+$0x30] =	vst v56  }
0x17e: {  	[hbm4b:s20+s2] =	stream.linear.scatter [tilespmem:s14], [sflag:$0x4], $0x1C00, $0x38;
	v17 =	vadd.f32 v62, v9;
	v19 =	vadd.f32 v63, v8;
	[tilespmem:$0x11880] =	vst v63  }
0x17f: {  	_ =	swait.ge [sflag:s15], $0x1C00  }
0x180: {  	[sflag:s15] =	ssyncset.done $0x0  }
0x181: {  	[sflag:s15] =	ssyncadd.s32 $0xFFFFE400  }
0x182: {  	_ =	swait.ge [sflag:s13], $0x1C00  }
0x183: {  	s18 =	sadd.s32 $0x1, s18;
	v8 =	vadd.f32 v19, v17;
	[sflag:s13] =	ssyncset.done $0x0  }
0x184: {  	p0 =	sne.s32 s18, s8;
	[sflag:s13] =	ssyncadd.s32 $0xFFFFE400  }
.Ltmp6:
0x185: {  	[tilespmem:$0x11800] =	vst v8;
	(pc) =	sbr.rel @p0 .LBB2_1-.Ltmp6, $4  }
0x186: {  	[hbm4b:s7+s2] =	stream.linear.scatter [tilespmem:s16], [sflag:$0x5], $0x80, $0x38;
	[tilespmem:$0x11880] =	vst v63  }
0x187: {  	_ =	swait.ge [sflag:s17], $0x80  }
0x188: {  	[sflag:s17] =	ssyncset.done $0x0  }
0x189: {  	[sflag:s17] =	ssyncadd.s32 $0xFFFFFF80  }
0x18a: {  	_ =	sfence.sel $0x180000  }
0x18b: {  	[bflag:$0x0] =	sbarrier.arrive $0xFFFF  }
0x18c: {  	p0 =	sne.s32 s1, $0x0;
	_ =	strace $0x90000047  }
0x18d: {  	s0 =	sadd.s32 @!p0 $0x100000, s0;
	[bflag:$0x2] =	sbarrier.arrive $0xFFFF  }
0x18e: {  	[sflag:s0] =	ssyncadd.tile.s32 @!p0 $0x1;
	_ =	shalt  }
.Lfunc_end2:
_tile_overlayer_lowered:
.L_overlay_start_2:
0x18f: {  	(tag) =	ssettag $0x2  }
0x190: {  	s0 =	rddreg [dreg:$0x0];
	s2 =	stileid.u32  }
0x191: {  	s1 =	rddreg [dreg:$0x1];
	p0 =	sne.s32 s2, $0x0  }
0x192: {  	s3 =	rddreg [dreg:$0x2];
	[bflag:$0x3] =	sbarrier.arrive $0xFFFF;
	s2 =	simm.s32 @!p0 $0x1C05  }
0x193: {  	[timem:s3], [sflag:s2] =	dma.local @!p0 [hbm:s0], s1  }
0x194: {  	s0 =	simm.s32 @!p0 $0x5  }
0x195: {  	_ =	swait.ge @!p0 [sflag:s0], s1  }
0x196: {  	s1 =	ssub.s32 @!p0 $0x0, s1;
	[sflag:s0] =	ssyncset.done @!p0 $0x0  }
0x197: {  	[sflag:s0] =	ssyncadd.s32 @!p0 s1  }
0x198: {  	[bflag:$0x3] =	sbarrier.arrive $0xFFFF  }
0x199: {  	_ =	shalt  }

</sc_bundles>
